<compile_context>
chip_gen: v7x
topology: tpu7x:2x2x1
jax: 0.10.2.dev20260603
libtpu: 0.0.44.dev20260713+nightly
codegen_flags: <defaults>
</compile_context>

<pallas_src>
import functools

import jax
import jax.numpy as jnp
from jax import lax
from jax.experimental import pallas as pl
from jax.experimental.pallas import tpu as pltpu
from jax.experimental.pallas import tpu_sc as plsc

N = 10000
E = 320000
D = 128
NC, NS, L = 2, 16, 16
NW = NC * NS
CH = 128
EPW = 10240
HC = 40
EP = EPW * NW
NP = 10240
RPT = NP // NS

_mesh = plsc.VectorSubcoreMesh(
    core_axis_name="c", subcore_axis_name="s", num_cores=NC, num_subcores=NS)


CPW = EPW // CH


@functools.partial(
    pl.kernel,
    out_type=jax.ShapeDtypeStruct((NC, NP), jnp.float32),
    mesh=_mesh,
    scratch_types=[
        pltpu.VMEM((CPW, CH), jnp.int32),
        pltpu.VMEM((CH,), jnp.float32),
        pltpu.VMEM((RPT,), jnp.float32),
        pltpu.VMEM_SHARED((NP,), jnp.float32),
        pltpu.SemaphoreType.DMA,
    ],
)
def _deg_kernel(dst_hbm, out_hbm, dstall, ones_v, z_v, deg_sh, sem):
    c = lax.axis_index("c")
    s = lax.axis_index("s")
    w = s * NC + c

    def _ones_init(i, carry):
        ones_v[pl.ds(i * L, L)] = jnp.full((L,), 1.0, jnp.float32)
        return carry

    lax.fori_loop(0, CH // L, _ones_init, 0)

    def _zero_init(i, carry):
        z_v[pl.ds(i * L, L)] = jnp.zeros((L,), jnp.float32)
        return carry

    lax.fori_loop(0, RPT // L, _zero_init, 0)
    pltpu.sync_copy(z_v, deg_sh.at[pl.ds(s * RPT, RPT)])
    pltpu.sync_copy(dst_hbm.at[pl.ds(w * CPW, CPW)], dstall)
    plsc.subcore_barrier()

    def _issue(t, carry):
        pltpu.async_copy(ones_v, deg_sh.at[dstall.at[t]], sem, add=True)
        return carry

    lax.fori_loop(0, CPW, _issue, 0)

    def _drain(t, carry):
        pltpu.make_async_copy(ones_v, deg_sh.at[dstall.at[t]], sem).wait()
        return carry

    lax.fori_loop(0, CPW, _drain, 0)
    plsc.subcore_barrier()
    pltpu.sync_copy(deg_sh.at[pl.ds(s * RPT, RPT)],
                    out_hbm.at[c, pl.ds(s * RPT, RPT)])


@functools.partial(
    pl.kernel,
    out_type=jax.ShapeDtypeStruct((NC, NP, D), jnp.float32),
    mesh=_mesh,
    scratch_types=[
        pltpu.VMEM((HC, CH), jnp.int32),
        pltpu.VMEM((HC, CH), jnp.int32),
        pltpu.VMEM((CH, D), jnp.float32),
        pltpu.VMEM((CH, D), jnp.float32),
        pltpu.VMEM_SHARED((NP, D), jnp.float32),
        pltpu.SemaphoreType.DMA,
        pltpu.SemaphoreType.DMA,
        pltpu.SemaphoreType.DMA,
        pltpu.SemaphoreType.DMA,
    ],
)
def _scatter_kernel(y_hbm, src_hbm, dst_hbm, z_hbm, out_hbm,
                    srcall, dstall, rows0, rows1, acc_sh,
                    sg0, sg1, ss0, ss1):
    c = lax.axis_index("c")
    s = lax.axis_index("s")
    w = s * NC + c
    rows = (rows0, rows1)
    sg = (sg0, sg1)
    ss = (ss0, ss1)

    zd = pltpu.async_copy(z_hbm.at[pl.ds(s * RPT, RPT)],
                          acc_sh.at[pl.ds(s * RPT, RPT)], sg0)
    sd = pltpu.async_copy(src_hbm.at[pl.ds(w * CPW, HC)], srcall, sg1)
    dd = pltpu.async_copy(dst_hbm.at[pl.ds(w * CPW, HC)], dstall, ss0)
    zd.wait()
    sd.wait()
    dd.wait()

    def _issue_gather(t, b):
        pltpu.async_copy(y_hbm.at[srcall.at[t]], rows[b], sg[b])

    def _wait_gather(t, b):
        pltpu.make_async_copy(y_hbm.at[srcall.at[t]], rows[b], sg[b]).wait()

    def _issue_scatter(t, b):
        pltpu.async_copy(rows[b], acc_sh.at[dstall.at[t]], ss[b], add=True)

    def _wait_scatter(t, b):
        pltpu.make_async_copy(rows[b], acc_sh.at[dstall.at[t]], ss[b]).wait()

    def _run_half():
        _issue_gather(0, 0)
        _issue_gather(1, 1)
        _wait_gather(0, 0)
        _issue_scatter(0, 0)

        def _steady(i, carry):
            for u in (0, 1):
                t = 1 + i * 2 + u
                b = (1 + u) % 2
                _wait_scatter(t - 1, 1 - b)
                _issue_gather(t + 1, 1 - b)
                _wait_gather(t, b)
                _issue_scatter(t, b)
            return carry

        lax.fori_loop(0, (HC - 2) // 2, _steady, 0)
        t = HC - 1
        _wait_scatter(t - 1, 0)
        _wait_gather(t, 1)
        _issue_scatter(t, 1)
        _wait_scatter(t, 1)

    plsc.subcore_barrier()
    _run_half()
    base = w * CPW + HC
    pltpu.sync_copy(src_hbm.at[pl.ds(base, HC)], srcall)
    pltpu.sync_copy(dst_hbm.at[pl.ds(base, HC)], dstall)
    _run_half()
    plsc.subcore_barrier()
    pltpu.sync_copy(acc_sh.at[pl.ds(s * RPT, RPT)],
                    out_hbm.at[c, pl.ds(s * RPT, RPT)])



_BLK = 1000


def _l1a_body(x_ref, w_ref, u_ref):
    u_ref[...] = jnp.dot(x_ref[...], w_ref[...],
                         preferred_element_type=jnp.float32)


def _l1b_body(u_ref, d0_ref, d1_ref, y_ref, dinv_ref):
    dinv = lax.rsqrt(d0_ref[...] + d1_ref[...] + 1.0)
    y_ref[...] = u_ref[...] * dinv
    dinv_ref[...] = dinv


def _l2_body(p_ref, y_ref, dinv_ref, b_ref, w_ref, y2_ref):
    dinv = dinv_ref[...]
    h = jnp.maximum(dinv * (p_ref[0] + p_ref[1] + y_ref[...]) + b_ref[...], 0.0)
    y2_ref[...] = jnp.dot(h, w_ref[...],
                          preferred_element_type=jnp.float32) * dinv


def _l3_body(p_ref, y_ref, dinv_ref, b_ref, out_ref):
    out_ref[...] = jnp.maximum(
        dinv_ref[...] * (p_ref[0] + p_ref[1] + y_ref[...]) + b_ref[...], 0.0)


def _tc_l1a(x, W1):
    return pl.pallas_call(
        _l1a_body,
        grid=(N // _BLK,),
        in_specs=[
            pl.BlockSpec((_BLK, D), lambda i: (i, 0)),
            pl.BlockSpec((D, D), lambda i: (0, 0)),
        ],
        out_specs=pl.BlockSpec((_BLK, D), lambda i: (i, 0)),
        out_shape=jax.ShapeDtypeStruct((N, D), jnp.float32),
    )(x, W1)


def _tc_l1b(u, d0, d1):
    return pl.pallas_call(
        _l1b_body,
        grid=(N // _BLK,),
        in_specs=[
            pl.BlockSpec((_BLK, D), lambda i: (i, 0)),
            pl.BlockSpec((_BLK, 1), lambda i: (i, 0)),
            pl.BlockSpec((_BLK, 1), lambda i: (i, 0)),
        ],
        out_specs=[
            pl.BlockSpec((_BLK, D), lambda i: (i, 0)),
            pl.BlockSpec((_BLK, 1), lambda i: (i, 0)),
        ],
        out_shape=[
            jax.ShapeDtypeStruct((N, D), jnp.float32),
            jax.ShapeDtypeStruct((N, 1), jnp.float32),
        ],
    )(u, d0, d1)


def _tc_l2(p, y, dinv, b, W2):
    return pl.pallas_call(
        _l2_body,
        grid=(N // _BLK,),
        in_specs=[
            pl.BlockSpec((NC, _BLK, D), lambda i: (0, i, 0)),
            pl.BlockSpec((_BLK, D), lambda i: (i, 0)),
            pl.BlockSpec((_BLK, 1), lambda i: (i, 0)),
            pl.BlockSpec((1, D), lambda i: (0, 0)),
            pl.BlockSpec((D, D), lambda i: (0, 0)),
        ],
        out_specs=pl.BlockSpec((_BLK, D), lambda i: (i, 0)),
        out_shape=jax.ShapeDtypeStruct((N, D), jnp.float32),
    )(p, y, dinv, b, W2)


def _tc_l3(p, y, dinv, b):
    return pl.pallas_call(
        _l3_body,
        grid=(N // _BLK,),
        in_specs=[
            pl.BlockSpec((NC, _BLK, D), lambda i: (0, i, 0)),
            pl.BlockSpec((_BLK, D), lambda i: (i, 0)),
            pl.BlockSpec((_BLK, 1), lambda i: (i, 0)),
            pl.BlockSpec((1, D), lambda i: (0, 0)),
        ],
        out_specs=pl.BlockSpec((_BLK, D), lambda i: (i, 0)),
        out_shape=jax.ShapeDtypeStruct((N, D), jnp.float32),
    )(p, y, dinv, b)


def kernel(x, edge_index, W1, b1, W2, b2):
    src = edge_index[0].astype(jnp.int32)
    dst = edge_index[1].astype(jnp.int32)
    ppw = EPW - E // NW
    dummy_src = jnp.tile((jnp.arange(ppw, dtype=jnp.int32) * 41) % N, (NW, 1))
    dummy_dst = jnp.tile(N + (jnp.arange(ppw, dtype=jnp.int32) % (NP - N)),
                         (NW, 1))
    src_p = jnp.concatenate(
        [src.reshape(NW, E // NW), dummy_src], axis=1).reshape(EP)
    dst_p = jnp.concatenate(
        [dst.reshape(NW, E // NW), dummy_dst], axis=1).reshape(EP)

    src2d = src_p.reshape(EP // CH, CH)
    dst2d = dst_p.reshape(EP // CH, CH)

    degp = _deg_kernel(dst2d)
    d0 = degp[0, :N, None]
    d1 = degp[1, :N, None]

    zrows = jnp.zeros((NP, D), jnp.float32)

    u1 = _tc_l1a(x, W1)
    y1, dinv = _tc_l1b(u1, d0, d1)
    p1 = _scatter_kernel(y1, src2d, dst2d, zrows)
    y2 = _tc_l2(p1, y1, dinv, b1.reshape(1, D), W2)
    p2 = _scatter_kernel(y2, src2d, dst2d, zrows)
    return _tc_l3(p2, y2, dinv, b2.reshape(1, D))

# --- scband reference (transcript-rebuilt; emitter-appended) ---
"""Pipeline reference for scband-encoder-9955734192583 (READ-ONLY COPY).

The authoritative reference and input builder live on the scoring server;
editing this copy changes nothing except your own understanding.
"""

import jax, jax.numpy as jnp
import numpy as np

N_NODES = 10000
N_EDGES = 320000
D_IN = 128
HIDDEN = [128, 128]


def gcn_conv(x, edge_index, W, b, num_nodes):
    # linear transform
    x = x @ W
    src = edge_index[0]
    dst = edge_index[1]
    # add self loops (torch_geometric GCNConv default add_self_loops=True)
    loop = jnp.arange(num_nodes, dtype=edge_index.dtype)
    src = jnp.concatenate([src, loop])
    dst = jnp.concatenate([dst, loop])
    # symmetric normalization: deg^{-1/2}[src] * deg^{-1/2}[dst]
    deg = jnp.zeros((num_nodes,), dtype=x.dtype).at[dst].add(1.0)
    dinv = jnp.where(deg > 0, 1.0 / jnp.sqrt(deg), 0.0)
    norm = dinv[src] * dinv[dst]
    # gather messages, scale, scatter-add to destination nodes
    msg = x[src] * norm[:, None]
    out = jax.ops.segment_sum(msg, dst, num_segments=num_nodes)
    return out + b


def setup_inputs(seed: int = 0) -> dict:
    key = jax.random.key(seed)
    k1, k2, k3, k4 = jax.random.split(key, 4)
    x = jax.random.normal(k1, (N_NODES, D_IN), dtype=jnp.float32)
    edge_index = jax.random.randint(k2, (2, N_EDGES), 0, N_NODES, dtype=jnp.int64)
    # Glorot-style init for GCN weights, zero bias (PyG defaults)
    s1 = float(np.sqrt(6.0 / (D_IN + HIDDEN[0])))
    W1 = jax.random.uniform(k3, (D_IN, HIDDEN[0]), dtype=jnp.float32, minval=-s1, maxval=s1)
    b1 = jnp.zeros((HIDDEN[0],), dtype=jnp.float32)
    s2 = float(np.sqrt(6.0 / (HIDDEN[0] + HIDDEN[1])))
    W2 = jax.random.uniform(k4, (HIDDEN[0], HIDDEN[1]), dtype=jnp.float32, minval=-s2, maxval=s2)
    b2 = jnp.zeros((HIDDEN[1],), dtype=jnp.float32)
    return {"x": x, "edge_index": edge_index, "W1": W1, "b1": b1, "W2": W2, "b2": b2}


def reference(x, edge_index, W1, b1, W2, b2):
    num_nodes = x.shape[0]
    h = gcn_conv(x, edge_index, W1, b1, num_nodes)
    h = jax.nn.relu(h)
    h = gcn_conv(h, edge_index, W2, b2, num_nodes)
    h = jax.nn.relu(h)
    return h

if __name__ == "__main__":
    import jax
    _d = setup_inputs()
    print(jax.jit(kernel)(*tuple(_d.values())))

</pallas_src>

<mosaic_0001>
#map = affine_map<(d0, d1) -> (0, 0)>
module attributes {stable_mosaic.version = 14 : i64} {
  func.func @_deg_kernel(%arg0: i32, %arg1: i32, %arg2: memref<2560x128xi32, #tpu.memory_space<hbm>>, %arg3: memref<2x10240xf32, #tpu.memory_space<hbm>>, %arg4: memref<80x128xi32, #tpu.memory_space<vmem>>, %arg5: memref<128xf32, #tpu.memory_space<vmem>>, %arg6: memref<640xf32, #tpu.memory_space<vmem>>, %arg7: memref<10240xf32, #tpu.memory_space<vmem_shared>>, %arg8: memref<!tpu.dma_semaphore, #tpu.memory_space<semaphore_mem>>) attributes {dimension_semantics = [#tpu.dimension_semantics<core_parallel>, #tpu.dimension_semantics<subcore_parallel>], iteration_bounds = array<i64: 2, 16>, scalar_prefetch = 0 : i64, scratch_operands = 5 : i64, tpu.core_type = #tpu.core_type<sc_vector_subcore>, window_params = [{transform_indices = #map}, {transform_indices = #map}]} {
    %mul3A = arith.constant 2 : i32
    %mul3A_0 = arith.muli %arg1, %mul3A : i32
    %add3A = arith.addi %mul3A_0, %arg0 : i32
    %scan3A = arith.constant 0 : i32
    %scan3A_1 = arith.constant 0 : i32
    %scan3A_2 = arith.constant 8 : i32
    %scan3A_3 = arith.addi %scan3A_1, %scan3A_2 : i32
    %scan3A_4 = arith.constant 1 : i32
    scf.for %scan3A_33 = %scan3A_1 to %scan3A_3 step %scan3A_4  : i32 {
      %broadcast_in_dim3A = arith.constant 1.000000e+00 : f32
      %broadcast_in_dim3A_34 = vector.broadcast %broadcast_in_dim3A : f32 to vector<16xf32>
      %mul3A_35 = arith.constant 16 : i32
      %mul3A_36 = arith.muli %scan3A_33, %mul3A_35 : i32
      %swap3A = arith.index_cast %mul3A_36 : i32 to index
      %swap3A_37 = tpu.vector_load %arg5[%swap3A] {strides = array<i32>} : memref<128xf32, #tpu.memory_space<vmem>>, vector<16xf32>,
      %swap3A_38 = vector.shape_cast %swap3A_37 : vector<16xf32> to vector<16xf32>
      %swap3A_39 = vector.shape_cast %broadcast_in_dim3A_34 : vector<16xf32> to vector<16xf32>
      tpu.vector_store %arg5[%swap3A], %swap3A_39 {strides = array<i32>} : memref<128xf32, #tpu.memory_space<vmem>>, vector<16xf32>,
    }
    %scan3A_5 = arith.constant 8 : i32
    %scan3A_6 = arith.constant 0 : i32
    %scan3A_7 = arith.constant 0 : i32
    %scan3A_8 = arith.constant 40 : i32
    %scan3A_9 = arith.addi %scan3A_7, %scan3A_8 : i32
    %scan3A_10 = arith.constant 1 : i32
    scf.for %scan3A_33 = %scan3A_7 to %scan3A_9 step %scan3A_10  : i32 {
      %broadcast_in_dim3A = arith.constant 0.000000e+00 : f32
      %broadcast_in_dim3A_34 = vector.broadcast %broadcast_in_dim3A : f32 to vector<16xf32>
      %mul3A_35 = arith.constant 16 : i32
      %mul3A_36 = arith.muli %scan3A_33, %mul3A_35 : i32
      %swap3A = arith.index_cast %mul3A_36 : i32 to index
      %swap3A_37 = tpu.vector_load %arg6[%swap3A] {strides = array<i32>} : memref<640xf32, #tpu.memory_space<vmem>>, vector<16xf32>,
      %swap3A_38 = vector.shape_cast %swap3A_37 : vector<16xf32> to vector<16xf32>
      %swap3A_39 = vector.shape_cast %broadcast_in_dim3A_34 : vector<16xf32> to vector<16xf32>
      tpu.vector_store %arg6[%swap3A], %swap3A_39 {strides = array<i32>} : memref<640xf32, #tpu.memory_space<vmem>>, vector<16xf32>,
    }
    %scan3A_11 = arith.constant 40 : i32
    %mul3A_12 = arith.constant 640 : i32
    %mul3A_13 = arith.muli %arg1, %mul3A_12 : i32
    "tpu.region"() ({
      %run_scoped3A = tpu.sem_alloc : memref<!tpu.dma_semaphore, #tpu.memory_space<semaphore_mem>>
      %dma_start3A = tpu.memref_slice %arg7[%mul3A_13] : memref<10240xf32, #tpu.memory_space<vmem_shared>> -> memref<640xf32, #tpu.memory_space<vmem_shared>>
      %dma_start3A_33 = tpu.memref_slice %arg7[%mul3A_13] : memref<10240xf32, #tpu.memory_space<vmem_shared>> -> memref<640xf32, #tpu.memory_space<vmem_shared>>
      tpu.enqueue_dma source(%arg6 : memref<640xf32, #tpu.memory_space<vmem>>) target(%dma_start3A_33 : memref<640xf32, #tpu.memory_space<vmem_shared>>) target_semaphore(%run_scoped3A : memref<!tpu.dma_semaphore, #tpu.memory_space<semaphore_mem>>)
      %dma_wait3A = tpu.memref_slice %arg7[%mul3A_13] : memref<10240xf32, #tpu.memory_space<vmem_shared>> -> memref<640xf32, #tpu.memory_space<vmem_shared>>
      %dma_wait3A_34 = tpu.memref_slice %arg7[%mul3A_13] : memref<10240xf32, #tpu.memory_space<vmem_shared>> -> memref<640xf32, #tpu.memory_space<vmem_shared>>
      tpu.wait_dma2 semaphore(%run_scoped3A : memref<!tpu.dma_semaphore, #tpu.memory_space<semaphore_mem>>) src(%arg6 : memref<640xf32, #tpu.memory_space<vmem>>) dst(%dma_wait3A_34 : memref<640xf32, #tpu.memory_space<vmem_shared>>)
      tpu.yield
    }) : () -> ()
    %mul3A_14 = arith.constant 80 : i32
    %mul3A_15 = arith.muli %add3A, %mul3A_14 : i32
    "tpu.region"() ({
      %run_scoped3A = tpu.sem_alloc : memref<!tpu.dma_semaphore, #tpu.memory_space<semaphore_mem>>
      %dma_start3A = arith.constant 0 : i32
      %dma_start3A_33 = tpu.memref_slice %arg2[%mul3A_15, %dma_start3A] : memref<2560x128xi32, #tpu.memory_space<hbm>> -> memref<80x128xi32, #tpu.memory_space<hbm>>
      %dma_start3A_34 = arith.constant 0 : i32
      %dma_start3A_35 = tpu.memref_slice %arg2[%mul3A_15, %dma_start3A_34] : memref<2560x128xi32, #tpu.memory_space<hbm>> -> memref<80x128xi32, #tpu.memory_space<hbm>>
      tpu.enqueue_dma source(%dma_start3A_35 : memref<80x128xi32, #tpu.memory_space<hbm>>) target(%arg4 : memref<80x128xi32, #tpu.memory_space<vmem>>) target_semaphore(%run_scoped3A : memref<!tpu.dma_semaphore, #tpu.memory_space<semaphore_mem>>)
      %dma_wait3A = arith.constant 0 : i32
      %dma_wait3A_36 = tpu.memref_slice %arg2[%mul3A_15, %dma_wait3A] : memref<2560x128xi32, #tpu.memory_space<hbm>> -> memref<80x128xi32, #tpu.memory_space<hbm>>
      %dma_wait3A_37 = arith.constant 0 : i32
      %dma_wait3A_38 = tpu.memref_slice %arg2[%mul3A_15, %dma_wait3A_37] : memref<2560x128xi32, #tpu.memory_space<hbm>> -> memref<80x128xi32, #tpu.memory_space<hbm>>
      tpu.wait_dma2 semaphore(%run_scoped3A : memref<!tpu.dma_semaphore, #tpu.memory_space<semaphore_mem>>) src(%dma_wait3A_38 : memref<80x128xi32, #tpu.memory_space<hbm>>) dst(%arg4 : memref<80x128xi32, #tpu.memory_space<vmem>>)
      tpu.yield
    }) : () -> ()
    %barrier3A = arith.constant 0 : index
    tpu.barrier barrier_id(%barrier3A)
    %scan3A_16 = arith.constant 0 : i32
    %scan3A_17 = arith.constant 0 : i32
    %scan3A_18 = arith.constant 80 : i32
    %scan3A_19 = arith.addi %scan3A_17, %scan3A_18 : i32
    %scan3A_20 = arith.constant 1 : i32
    scf.for %scan3A_33 = %scan3A_17 to %scan3A_19 step %scan3A_20  : i32 {
      %dma_start3A = arith.constant 0 : i32
      %dma_start3A_34 = tpu.memref_slice %arg4[%scan3A_33, %dma_start3A] : memref<80x128xi32, #tpu.memory_space<vmem>> -> memref<1x128xi32, #tpu.memory_space<vmem>>
      %dma_start3A_35 = tpu.memref_squeeze %dma_start3A_34 : memref<1x128xi32, #tpu.memory_space<vmem>> -> memref<128xi32, #tpu.memory_space<vmem>>
      %dma_start3A_36 = arith.constant 0 : i32
      %dma_start3A_37 = tpu.memref_slice %arg7[%dma_start3A_36] : memref<10240xf32, #tpu.memory_space<vmem_shared>> -> memref<10240xf32, #tpu.memory_space<vmem_shared>>
      tpu.enqueue_indirect_dma source(%arg5 : memref<128xf32, #tpu.memory_space<vmem>>) target(%dma_start3A_37 : memref<10240xf32, #tpu.memory_space<vmem_shared>>) offsets(%dma_start3A_35 : memref<128xi32, #tpu.memory_space<vmem>>) semaphore(%arg8 : memref<!tpu.dma_semaphore, #tpu.memory_space<semaphore_mem>>) {add = true}
    }
    %scan3A_21 = arith.constant 80 : i32
    %scan3A_22 = arith.constant 0 : i32
    %scan3A_23 = arith.constant 0 : i32
    %scan3A_24 = arith.constant 80 : i32
    %scan3A_25 = arith.addi %scan3A_23, %scan3A_24 : i32
    %scan3A_26 = arith.constant 1 : i32
    scf.for %scan3A_33 = %scan3A_23 to %scan3A_25 step %scan3A_26  : i32 {
      %dma_wait3A = arith.constant 0 : i32
      %dma_wait3A_34 = tpu.memref_slice %arg4[%scan3A_33, %dma_wait3A] : memref<80x128xi32, #tpu.memory_space<vmem>> -> memref<1x128xi32, #tpu.memory_space<vmem>>
      %dma_wait3A_35 = tpu.memref_squeeze %dma_wait3A_34 : memref<1x128xi32, #tpu.memory_space<vmem>> -> memref<128xi32, #tpu.memory_space<vmem>>
      %dma_wait3A_36 = arith.constant 0 : i32
      %dma_wait3A_37 = tpu.memref_slice %arg7[%dma_wait3A_36] : memref<10240xf32, #tpu.memory_space<vmem_shared>> -> memref<10240xf32, #tpu.memory_space<vmem_shared>>
      tpu.wait_indirect_dma semaphore(%arg8 : memref<!tpu.dma_semaphore, #tpu.memory_space<semaphore_mem>>) src(%arg5 : memref<128xf32, #tpu.memory_space<vmem>>) dst(%dma_wait3A_37 : memref<10240xf32, #tpu.memory_space<vmem_shared>>)
    }
    %scan3A_27 = arith.constant 80 : i32
    %barrier3A_28 = arith.constant 0 : index
    tpu.barrier barrier_id(%barrier3A_28)
    %mul3A_29 = arith.constant 640 : i32
    %mul3A_30 = arith.muli %arg1, %mul3A_29 : i32
    %mul3A_31 = arith.constant 640 : i32
    %mul3A_32 = arith.muli %arg1, %mul3A_31 : i32
    "tpu.region"() ({
      %run_scoped3A = tpu.sem_alloc : memref<!tpu.dma_semaphore, #tpu.memory_space<semaphore_mem>>
      %dma_start3A = tpu.memref_slice %arg3[%arg0, %mul3A_32] : memref<2x10240xf32, #tpu.memory_space<hbm>> -> memref<1x640xf32, #tpu.memory_space<hbm>>
      %dma_start3A_33 = tpu.memref_squeeze %dma_start3A : memref<1x640xf32, #tpu.memory_space<hbm>> -> memref<640xf32, #tpu.memory_space<hbm>>
      %dma_start3A_34 = tpu.memref_slice %arg7[%mul3A_30] : memref<10240xf32, #tpu.memory_space<vmem_shared>> -> memref<640xf32, #tpu.memory_space<vmem_shared>>
      tpu.enqueue_dma source(%dma_start3A_34 : memref<640xf32, #tpu.memory_space<vmem_shared>>) target(%dma_start3A_33 : memref<640xf32, #tpu.memory_space<hbm>>) target_semaphore(%run_scoped3A : memref<!tpu.dma_semaphore, #tpu.memory_space<semaphore_mem>>)
      %dma_wait3A = tpu.memref_slice %arg3[%arg0, %mul3A_32] : memref<2x10240xf32, #tpu.memory_space<hbm>> -> memref<1x640xf32, #tpu.memory_space<hbm>>
      %dma_wait3A_35 = tpu.memref_squeeze %dma_wait3A : memref<1x640xf32, #tpu.memory_space<hbm>> -> memref<640xf32, #tpu.memory_space<hbm>>
      %dma_wait3A_36 = tpu.memref_slice %arg7[%mul3A_30] : memref<10240xf32, #tpu.memory_space<vmem_shared>> -> memref<640xf32, #tpu.memory_space<vmem_shared>>
      tpu.wait_dma2 semaphore(%run_scoped3A : memref<!tpu.dma_semaphore, #tpu.memory_space<semaphore_mem>>) src(%dma_wait3A_36 : memref<640xf32, #tpu.memory_space<vmem_shared>>) dst(%dma_wait3A_35 : memref<640xf32, #tpu.memory_space<hbm>>)
      tpu.yield
    }) : () -> ()
    return
  }
}

#map = affine_map<(d0, d1) -> (0, 0)>
#map1 = affine_map<(d0, d1) -> (0, 0, 0)>
module attributes {stable_mosaic.version = 14 : i64} {
  func.func @_scatter_kernel(%arg0: i32, %arg1: i32, %arg2: memref<10000x128xf32, #tpu.memory_space<hbm>>, %arg3: memref<2560x128xi32, #tpu.memory_space<hbm>>, %arg4: memref<2560x128xi32, #tpu.memory_space<hbm>>, %arg5: memref<10240x128xf32, #tpu.memory_space<hbm>>, %arg6: memref<2x10240x128xf32, #tpu.memory_space<hbm>>, %arg7: memref<40x128xi32, #tpu.memory_space<vmem>>, %arg8: memref<40x128xi32, #tpu.memory_space<vmem>>, %arg9: memref<128x128xf32, #tpu.memory_space<vmem>>, %arg10: memref<128x128xf32, #tpu.memory_space<vmem>>, %arg11: memref<10240x128xf32, #tpu.memory_space<vmem_shared>>, %arg12: memref<!tpu.dma_semaphore, #tpu.memory_space<semaphore_mem>>, %arg13: memref<!tpu.dma_semaphore, #tpu.memory_space<semaphore_mem>>, %arg14: memref<!tpu.dma_semaphore, #tpu.memory_space<semaphore_mem>>, %arg15: memref<!tpu.dma_semaphore, #tpu.memory_space<semaphore_mem>>) attributes {dimension_semantics = [#tpu.dimension_semantics<core_parallel>, #tpu.dimension_semantics<subcore_parallel>], iteration_bounds = array<i64: 2, 16>, scalar_prefetch = 0 : i64, scratch_operands = 9 : i64, tpu.core_type = #tpu.core_type<sc_vector_subcore>, window_params = [{transform_indices = #map}, {transform_indices = #map}, {transform_indices = #map}, {transform_indices = #map}, {transform_indices = #map1}]} {
    %mul3A = arith.constant 2 : i32
    %mul3A_0 = arith.muli %arg1, %mul3A : i32
    %add3A = arith.addi %mul3A_0, %arg0 : i32
    %mul3A_1 = arith.constant 640 : i32
    %mul3A_2 = arith.muli %arg1, %mul3A_1 : i32
    %mul3A_3 = arith.constant 640 : i32
    %mul3A_4 = arith.muli %arg1, %mul3A_3 : i32
    %dma_start3A = arith.constant 0 : i32
    %dma_start3A_5 = tpu.memref_slice %arg11[%mul3A_4, %dma_start3A] : memref<10240x128xf32, #tpu.memory_space<vmem_shared>> -> memref<640x128xf32, #tpu.memory_space<vmem_shared>>
    %dma_start3A_6 = arith.constant 0 : i32
    %dma_start3A_7 = tpu.memref_slice %arg5[%mul3A_2, %dma_start3A_6] : memref<10240x128xf32, #tpu.memory_space<hbm>> -> memref<640x128xf32, #tpu.memory_space<hbm>>
    tpu.enqueue_dma source(%dma_start3A_7 : memref<640x128xf32, #tpu.memory_space<hbm>>) target(%dma_start3A_5 : memref<640x128xf32, #tpu.memory_space<vmem_shared>>) target_semaphore(%arg12 : memref<!tpu.dma_semaphore, #tpu.memory_space<semaphore_mem>>)
    %mul3A_8 = arith.constant 80 : i32
    %mul3A_9 = arith.muli %add3A, %mul3A_8 : i32
    %dma_start3A_10 = arith.constant 0 : i32
    %dma_start3A_11 = tpu.memref_slice %arg3[%mul3A_9, %dma_start3A_10] : memref<2560x128xi32, #tpu.memory_space<hbm>> -> memref<40x128xi32, #tpu.memory_space<hbm>>
    %dma_start3A_12 = arith.constant 0 : i32
    %dma_start3A_13 = tpu.memref_slice %arg3[%mul3A_9, %dma_start3A_12] : memref<2560x128xi32, #tpu.memory_space<hbm>> -> memref<40x128xi32, #tpu.memory_space<hbm>>
    tpu.enqueue_dma source(%dma_start3A_13 : memref<40x128xi32, #tpu.memory_space<hbm>>) target(%arg7 : memref<40x128xi32, #tpu.memory_space<vmem>>) target_semaphore(%arg13 : memref<!tpu.dma_semaphore, #tpu.memory_space<semaphore_mem>>)
    %mul3A_14 = arith.constant 80 : i32
    %mul3A_15 = arith.muli %add3A, %mul3A_14 : i32
    %dma_start3A_16 = arith.constant 0 : i32
    %dma_start3A_17 = tpu.memref_slice %arg4[%mul3A_15, %dma_start3A_16] : memref<2560x128xi32, #tpu.memory_space<hbm>> -> memref<40x128xi32, #tpu.memory_space<hbm>>
    %dma_start3A_18 = arith.constant 0 : i32
    %dma_start3A_19 = tpu.memref_slice %arg4[%mul3A_15, %dma_start3A_18] : memref<2560x128xi32, #tpu.memory_space<hbm>> -> memref<40x128xi32, #tpu.memory_space<hbm>>
    tpu.enqueue_dma source(%dma_start3A_19 : memref<40x128xi32, #tpu.memory_space<hbm>>) target(%arg8 : memref<40x128xi32, #tpu.memory_space<vmem>>) target_semaphore(%arg14 : memref<!tpu.dma_semaphore, #tpu.memory_space<semaphore_mem>>)
    %dma_wait3A = arith.constant 0 : i32
    %dma_wait3A_20 = tpu.memref_slice %arg11[%mul3A_4, %dma_wait3A] : memref<10240x128xf32, #tpu.memory_space<vmem_shared>> -> memref<640x128xf32, #tpu.memory_space<vmem_shared>>
    %dma_wait3A_21 = arith.constant 0 : i32
    %dma_wait3A_22 = tpu.memref_slice %arg5[%mul3A_2, %dma_wait3A_21] : memref<10240x128xf32, #tpu.memory_space<hbm>> -> memref<640x128xf32, #tpu.memory_space<hbm>>
    tpu.wait_dma2 semaphore(%arg12 : memref<!tpu.dma_semaphore, #tpu.memory_space<semaphore_mem>>) src(%dma_wait3A_22 : memref<640x128xf32, #tpu.memory_space<hbm>>) dst(%dma_wait3A_20 : memref<640x128xf32, #tpu.memory_space<vmem_shared>>)
    %dma_wait3A_23 = arith.constant 0 : i32
    %dma_wait3A_24 = tpu.memref_slice %arg3[%mul3A_9, %dma_wait3A_23] : memref<2560x128xi32, #tpu.memory_space<hbm>> -> memref<40x128xi32, #tpu.memory_space<hbm>>
    %dma_wait3A_25 = arith.constant 0 : i32
    %dma_wait3A_26 = tpu.memref_slice %arg3[%mul3A_9, %dma_wait3A_25] : memref<2560x128xi32, #tpu.memory_space<hbm>> -> memref<40x128xi32, #tpu.memory_space<hbm>>
    tpu.wait_dma2 semaphore(%arg13 : memref<!tpu.dma_semaphore, #tpu.memory_space<semaphore_mem>>) src(%dma_wait3A_26 : memref<40x128xi32, #tpu.memory_space<hbm>>) dst(%arg7 : memref<40x128xi32, #tpu.memory_space<vmem>>)
    %dma_wait3A_27 = arith.constant 0 : i32
    %dma_wait3A_28 = tpu.memref_slice %arg4[%mul3A_15, %dma_wait3A_27] : memref<2560x128xi32, #tpu.memory_space<hbm>> -> memref<40x128xi32, #tpu.memory_space<hbm>>
    %dma_wait3A_29 = arith.constant 0 : i32
    %dma_wait3A_30 = tpu.memref_slice %arg4[%mul3A_15, %dma_wait3A_29] : memref<2560x128xi32, #tpu.memory_space<hbm>> -> memref<40x128xi32, #tpu.memory_space<hbm>>
    tpu.wait_dma2 semaphore(%arg14 : memref<!tpu.dma_semaphore, #tpu.memory_space<semaphore_mem>>) src(%dma_wait3A_30 : memref<40x128xi32, #tpu.memory_space<hbm>>) dst(%arg8 : memref<40x128xi32, #tpu.memory_space<vmem>>)
    %barrier3A = arith.constant 0 : index
    tpu.barrier barrier_id(%barrier3A)
    %dma_start3A_31 = arith.constant 0 : i32
    %dma_start3A_32 = arith.constant 0 : i32
    %dma_start3A_33 = tpu.memref_slice %arg7[%dma_start3A_31, %dma_start3A_32] : memref<40x128xi32, #tpu.memory_space<vmem>> -> memref<1x128xi32, #tpu.memory_space<vmem>>
    %dma_start3A_34 = tpu.memref_squeeze %dma_start3A_33 : memref<1x128xi32, #tpu.memory_space<vmem>> -> memref<128xi32, #tpu.memory_space<vmem>>
    %dma_start3A_35 = arith.constant 0 : i32
    %dma_start3A_36 = arith.constant 0 : i32
    %dma_start3A_37 = tpu.memref_slice %arg2[%dma_start3A_35, %dma_start3A_36] : memref<10000x128xf32, #tpu.memory_space<hbm>> -> memref<10000x128xf32, #tpu.memory_space<hbm>>
    tpu.enqueue_indirect_dma source(%dma_start3A_37 : memref<10000x128xf32, #tpu.memory_space<hbm>>) target(%arg9 : memref<128x128xf32, #tpu.memory_space<vmem>>) offsets(%dma_start3A_34 : memref<128xi32, #tpu.memory_space<vmem>>) semaphore(%arg12 : memref<!tpu.dma_semaphore, #tpu.memory_space<semaphore_mem>>)
    %dma_start3A_38 = arith.constant 1 : i32
    %dma_start3A_39 = arith.constant 0 : i32
    %dma_start3A_40 = tpu.memref_slice %arg7[%dma_start3A_38, %dma_start3A_39] : memref<40x128xi32, #tpu.memory_space<vmem>> -> memref<1x128xi32, #tpu.memory_space<vmem>>
    %dma_start3A_41 = tpu.memref_squeeze %dma_start3A_40 : memref<1x128xi32, #tpu.memory_space<vmem>> -> memref<128xi32, #tpu.memory_space<vmem>>
    %dma_start3A_42 = arith.constant 0 : i32
    %dma_start3A_43 = arith.constant 0 : i32
    %dma_start3A_44 = tpu.memref_slice %arg2[%dma_start3A_42, %dma_start3A_43] : memref<10000x128xf32, #tpu.memory_space<hbm>> -> memref<10000x128xf32, #tpu.memory_space<hbm>>
    tpu.enqueue_indirect_dma source(%dma_start3A_44 : memref<10000x128xf32, #tpu.memory_space<hbm>>) target(%arg10 : memref<128x128xf32, #tpu.memory_space<vmem>>) offsets(%dma_start3A_41 : memref<128xi32, #tpu.memory_space<vmem>>) semaphore(%arg13 : memref<!tpu.dma_semaphore, #tpu.memory_space<semaphore_mem>>)
    %dma_wait3A_45 = arith.constant 0 : i32
    %dma_wait3A_46 = arith.constant 0 : i32
    %dma_wait3A_47 = tpu.memref_slice %arg7[%dma_wait3A_45, %dma_wait3A_46] : memref<40x128xi32, #tpu.memory_space<vmem>> -> memref<1x128xi32, #tpu.memory_space<vmem>>
    %dma_wait3A_48 = tpu.memref_squeeze %dma_wait3A_47 : memref<1x128xi32, #tpu.memory_space<vmem>> -> memref<128xi32, #tpu.memory_space<vmem>>
    %dma_wait3A_49 = arith.constant 0 : i32
    %dma_wait3A_50 = arith.constant 0 : i32
    %dma_wait3A_51 = tpu.memref_slice %arg2[%dma_wait3A_49, %dma_wait3A_50] : memref<10000x128xf32, #tpu.memory_space<hbm>> -> memref<10000x128xf32, #tpu.memory_space<hbm>>
    tpu.wait_indirect_dma semaphore(%arg12 : memref<!tpu.dma_semaphore, #tpu.memory_space<semaphore_mem>>) src(%dma_wait3A_51 : memref<10000x128xf32, #tpu.memory_space<hbm>>) dst(%arg9 : memref<128x128xf32, #tpu.memory_space<vmem>>)
    %dma_start3A_52 = arith.constant 0 : i32
    %dma_start3A_53 = arith.constant 0 : i32
    %dma_start3A_54 = tpu.memref_slice %arg8[%dma_start3A_52, %dma_start3A_53] : memref<40x128xi32, #tpu.memory_space<vmem>> -> memref<1x128xi32, #tpu.memory_space<vmem>>
    %dma_start3A_55 = tpu.memref_squeeze %dma_start3A_54 : memref<1x128xi32, #tpu.memory_space<vmem>> -> memref<128xi32, #tpu.memory_space<vmem>>
    %dma_start3A_56 = arith.constant 0 : i32
    %dma_start3A_57 = arith.constant 0 : i32
    %dma_start3A_58 = tpu.memref_slice %arg11[%dma_start3A_56, %dma_start3A_57] : memref<10240x128xf32, #tpu.memory_space<vmem_shared>> -> memref<10240x128xf32, #tpu.memory_space<vmem_shared>>
    tpu.enqueue_indirect_dma source(%arg9 : memref<128x128xf32, #tpu.memory_space<vmem>>) target(%dma_start3A_58 : memref<10240x128xf32, #tpu.memory_space<vmem_shared>>) offsets(%dma_start3A_55 : memref<128xi32, #tpu.memory_space<vmem>>) semaphore(%arg14 : memref<!tpu.dma_semaphore, #tpu.memory_space<semaphore_mem>>) {add = true}
    %scan3A = arith.constant 0 : i32
    %scan3A_59 = arith.constant 0 : i32
    %scan3A_60 = arith.constant 19 : i32
    %scan3A_61 = arith.addi %scan3A_59, %scan3A_60 : i32
    %scan3A_62 = arith.constant 1 : i32
    scf.for %scan3A_163 = %scan3A_59 to %scan3A_61 step %scan3A_62  : i32 {
      %mul3A_164 = arith.constant 2 : i32
      %mul3A_165 = arith.muli %scan3A_163, %mul3A_164 : i32
      %add3A_166 = arith.constant 1 : i32
      %add3A_167 = arith.addi %add3A_166, %mul3A_165 : i32
      %add3A_168 = arith.constant 0 : i32
      %add3A_169 = arith.addi %add3A_167, %add3A_168 : i32
      %sub3A = arith.constant 1 : i32
      %sub3A_170 = arith.subi %add3A_169, %sub3A : i32
      %dma_wait3A_171 = arith.constant 0 : i32
      %dma_wait3A_172 = tpu.memref_slice %arg8[%sub3A_170, %dma_wait3A_171] : memref<40x128xi32, #tpu.memory_space<vmem>> -> memref<1x128xi32, #tpu.memory_space<vmem>>
      %dma_wait3A_173 = tpu.memref_squeeze %dma_wait3A_172 : memref<1x128xi32, #tpu.memory_space<vmem>> -> memref<128xi32, #tpu.memory_space<vmem>>
      %dma_wait3A_174 = arith.constant 0 : i32
      %dma_wait3A_175 = arith.constant 0 : i32
      %dma_wait3A_176 = tpu.memref_slice %arg11[%dma_wait3A_174, %dma_wait3A_175] : memref<10240x128xf32, #tpu.memory_space<vmem_shared>> -> memref<10240x128xf32, #tpu.memory_space<vmem_shared>>
      tpu.wait_indirect_dma semaphore(%arg14 : memref<!tpu.dma_semaphore, #tpu.memory_space<semaphore_mem>>) src(%arg9 : memref<128x128xf32, #tpu.memory_space<vmem>>) dst(%dma_wait3A_176 : memref<10240x128xf32, #tpu.memory_space<vmem_shared>>)
      %add3A_177 = arith.constant 1 : i32
      %add3A_178 = arith.addi %add3A_169, %add3A_177 : i32
      %dma_start3A_179 = arith.constant 0 : i32
      %dma_start3A_180 = tpu.memref_slice %arg7[%add3A_178, %dma_start3A_179] : memref<40x128xi32, #tpu.memory_space<vmem>> -> memref<1x128xi32, #tpu.memory_space<vmem>>
      %dma_start3A_181 = tpu.memref_squeeze %dma_start3A_180 : memref<1x128xi32, #tpu.memory_space<vmem>> -> memref<128xi32, #tpu.memory_space<vmem>>
      %dma_start3A_182 = arith.constant 0 : i32
      %dma_start3A_183 = arith.constant 0 : i32
      %dma_start3A_184 = tpu.memref_slice %arg2[%dma_start3A_182, %dma_start3A_183] : memref<10000x128xf32, #tpu.memory_space<hbm>> -> memref<10000x128xf32, #tpu.memory_space<hbm>>
      tpu.enqueue_indirect_dma source(%dma_start3A_184 : memref<10000x128xf32, #tpu.memory_space<hbm>>) target(%arg9 : memref<128x128xf32, #tpu.memory_space<vmem>>) offsets(%dma_start3A_181 : memref<128xi32, #tpu.memory_space<vmem>>) semaphore(%arg12 : memref<!tpu.dma_semaphore, #tpu.memory_space<semaphore_mem>>)
      %dma_wait3A_185 = arith.constant 0 : i32
      %dma_wait3A_186 = tpu.memref_slice %arg7[%add3A_169, %dma_wait3A_185] : memref<40x128xi32, #tpu.memory_space<vmem>> -> memref<1x128xi32, #tpu.memory_space<vmem>>
      %dma_wait3A_187 = tpu.memref_squeeze %dma_wait3A_186 : memref<1x128xi32, #tpu.memory_space<vmem>> -> memref<128xi32, #tpu.memory_space<vmem>>
      %dma_wait3A_188 = arith.constant 0 : i32
      %dma_wait3A_189 = arith.constant 0 : i32
      %dma_wait3A_190 = tpu.memref_slice %arg2[%dma_wait3A_188, %dma_wait3A_189] : memref<10000x128xf32, #tpu.memory_space<hbm>> -> memref<10000x128xf32, #tpu.memory_space<hbm>>
      tpu.wait_indirect_dma semaphore(%arg13 : memref<!tpu.dma_semaphore, #tpu.memory_space<semaphore_mem>>) src(%dma_wait3A_190 : memref<10000x128xf32, #tpu.memory_space<hbm>>) dst(%arg10 : memref<128x128xf32, #tpu.memory_space<vmem>>)
      %dma_start3A_191 = arith.constant 0 : i32
      %dma_start3A_192 = tpu.memref_slice %arg8[%add3A_169, %dma_start3A_191] : memref<40x128xi32, #tpu.memory_space<vmem>> -> memref<1x128xi32, #tpu.memory_space<vmem>>
      %dma_start3A_193 = tpu.memref_squeeze %dma_start3A_192 : memref<1x128xi32, #tpu.memory_space<vmem>> -> memref<128xi32, #tpu.memory_space<vmem>>
      %dma_start3A_194 = arith.constant 0 : i32
      %dma_start3A_195 = arith.constant 0 : i32
      %dma_start3A_196 = tpu.memref_slice %arg11[%dma_start3A_194, %dma_start3A_195] : memref<10240x128xf32, #tpu.memory_space<vmem_shared>> -> memref<10240x128xf32, #tpu.memory_space<vmem_shared>>
      tpu.enqueue_indirect_dma source(%arg10 : memref<128x128xf32, #tpu.memory_space<vmem>>) target(%dma_start3A_196 : memref<10240x128xf32, #tpu.memory_space<vmem_shared>>) offsets(%dma_start3A_193 : memref<128xi32, #tpu.memory_space<vmem>>) semaphore(%arg15 : memref<!tpu.dma_semaphore, #tpu.memory_space<semaphore_mem>>) {add = true}
      %mul3A_197 = arith.constant 2 : i32
      %mul3A_198 = arith.muli %scan3A_163, %mul3A_197 : i32
      %add3A_199 = arith.constant 1 : i32
      %add3A_200 = arith.addi %add3A_199, %mul3A_198 : i32
      %add3A_201 = arith.constant 1 : i32
      %add3A_202 = arith.addi %add3A_200, %add3A_201 : i32
      %sub3A_203 = arith.constant 1 : i32
      %sub3A_204 = arith.subi %add3A_202, %sub3A_203 : i32
      %dma_wait3A_205 = arith.constant 0 : i32
      %dma_wait3A_206 = tpu.memref_slice %arg8[%sub3A_204, %dma_wait3A_205] : memref<40x128xi32, #tpu.memory_space<vmem>> -> memref<1x128xi32, #tpu.memory_space<vmem>>
      %dma_wait3A_207 = tpu.memref_squeeze %dma_wait3A_206 : memref<1x128xi32, #tpu.memory_space<vmem>> -> memref<128xi32, #tpu.memory_space<vmem>>
      %dma_wait3A_208 = arith.constant 0 : i32
      %dma_wait3A_209 = arith.constant 0 : i32
      %dma_wait3A_210 = tpu.memref_slice %arg11[%dma_wait3A_208, %dma_wait3A_209] : memref<10240x128xf32, #tpu.memory_space<vmem_shared>> -> memref<10240x128xf32, #tpu.memory_space<vmem_shared>>
      tpu.wait_indirect_dma semaphore(%arg15 : memref<!tpu.dma_semaphore, #tpu.memory_space<semaphore_mem>>) src(%arg10 : memref<128x128xf32, #tpu.memory_space<vmem>>) dst(%dma_wait3A_210 : memref<10240x128xf32, #tpu.memory_space<vmem_shared>>)
      %add3A_211 = arith.constant 1 : i32
      %add3A_212 = arith.addi %add3A_202, %add3A_211 : i32
      %dma_start3A_213 = arith.constant 0 : i32
      %dma_start3A_214 = tpu.memref_slice %arg7[%add3A_212, %dma_start3A_213] : memref<40x128xi32, #tpu.memory_space<vmem>> -> memref<1x128xi32, #tpu.memory_space<vmem>>
      %dma_start3A_215 = tpu.memref_squeeze %dma_start3A_214 : memref<1x128xi32, #tpu.memory_space<vmem>> -> memref<128xi32, #tpu.memory_space<vmem>>
      %dma_start3A_216 = arith.constant 0 : i32
      %dma_start3A_217 = arith.constant 0 : i32
      %dma_start3A_218 = tpu.memref_slice %arg2[%dma_start3A_216, %dma_start3A_217] : memref<10000x128xf32, #tpu.memory_space<hbm>> -> memref<10000x128xf32, #tpu.memory_space<hbm>>
      tpu.enqueue_indirect_dma source(%dma_start3A_218 : memref<10000x128xf32, #tpu.memory_space<hbm>>) target(%arg10 : memref<128x128xf32, #tpu.memory_space<vmem>>) offsets(%dma_start3A_215 : memref<128xi32, #tpu.memory_space<vmem>>) semaphore(%arg13 : memref<!tpu.dma_semaphore, #tpu.memory_space<semaphore_mem>>)
      %dma_wait3A_219 = arith.constant 0 : i32
      %dma_wait3A_220 = tpu.memref_slice %arg7[%add3A_202, %dma_wait3A_219] : memref<40x128xi32, #tpu.memory_space<vmem>> -> memref<1x128xi32, #tpu.memory_space<vmem>>
      %dma_wait3A_221 = tpu.memref_squeeze %dma_wait3A_220 : memref<1x128xi32, #tpu.memory_space<vmem>> -> memref<128xi32, #tpu.memory_space<vmem>>
      %dma_wait3A_222 = arith.constant 0 : i32
      %dma_wait3A_223 = arith.constant 0 : i32
      %dma_wait3A_224 = tpu.memref_slice %arg2[%dma_wait3A_222, %dma_wait3A_223] : memref<10000x128xf32, #tpu.memory_space<hbm>> -> memref<10000x128xf32, #tpu.memory_space<hbm>>
      tpu.wait_indirect_dma semaphore(%arg12 : memref<!tpu.dma_semaphore, #tpu.memory_space<semaphore_mem>>) src(%dma_wait3A_224 : memref<10000x128xf32, #tpu.memory_space<hbm>>) dst(%arg9 : memref<128x128xf32, #tpu.memory_space<vmem>>)
      %dma_start3A_225 = arith.constant 0 : i32
      %dma_start3A_226 = tpu.memref_slice %arg8[%add3A_202, %dma_start3A_225] : memref<40x128xi32, #tpu.memory_space<vmem>> -> memref<1x128xi32, #tpu.memory_space<vmem>>
      %dma_start3A_227 = tpu.memref_squeeze %dma_start3A_226 : memref<1x128xi32, #tpu.memory_space<vmem>> -> memref<128xi32, #tpu.memory_space<vmem>>
      %dma_start3A_228 = arith.constant 0 : i32
      %dma_start3A_229 = arith.constant 0 : i32
      %dma_start3A_230 = tpu.memref_slice %arg11[%dma_start3A_228, %dma_start3A_229] : memref<10240x128xf32, #tpu.memory_space<vmem_shared>> -> memref<10240x128xf32, #tpu.memory_space<vmem_shared>>
      tpu.enqueue_indirect_dma source(%arg9 : memref<128x128xf32, #tpu.memory_space<vmem>>) target(%dma_start3A_230 : memref<10240x128xf32, #tpu.memory_space<vmem_shared>>) offsets(%dma_start3A_227 : memref<128xi32, #tpu.memory_space<vmem>>) semaphore(%arg14 : memref<!tpu.dma_semaphore, #tpu.memory_space<semaphore_mem>>) {add = true}
    }
    %scan3A_63 = arith.constant 19 : i32
    %dma_wait3A_64 = arith.constant 38 : i32
    %dma_wait3A_65 = arith.constant 0 : i32
    %dma_wait3A_66 = tpu.memref_slice %arg8[%dma_wait3A_64, %dma_wait3A_65] : memref<40x128xi32, #tpu.memory_space<vmem>> -> memref<1x128xi32, #tpu.memory_space<vmem>>
    %dma_wait3A_67 = tpu.memref_squeeze %dma_wait3A_66 : memref<1x128xi32, #tpu.memory_space<vmem>> -> memref<128xi32, #tpu.memory_space<vmem>>
    %dma_wait3A_68 = arith.constant 0 : i32
    %dma_wait3A_69 = arith.constant 0 : i32
    %dma_wait3A_70 = tpu.memref_slice %arg11[%dma_wait3A_68, %dma_wait3A_69] : memref<10240x128xf32, #tpu.memory_space<vmem_shared>> -> memref<10240x128xf32, #tpu.memory_space<vmem_shared>>
    tpu.wait_indirect_dma semaphore(%arg14 : memref<!tpu.dma_semaphore, #tpu.memory_space<semaphore_mem>>) src(%arg9 : memref<128x128xf32, #tpu.memory_space<vmem>>) dst(%dma_wait3A_70 : memref<10240x128xf32, #tpu.memory_space<vmem_shared>>)
    %dma_wait3A_71 = arith.constant 39 : i32
    %dma_wait3A_72 = arith.constant 0 : i32
    %dma_wait3A_73 = tpu.memref_slice %arg7[%dma_wait3A_71, %dma_wait3A_72] : memref<40x128xi32, #tpu.memory_space<vmem>> -> memref<1x128xi32, #tpu.memory_space<vmem>>
    %dma_wait3A_74 = tpu.memref_squeeze %dma_wait3A_73 : memref<1x128xi32, #tpu.memory_space<vmem>> -> memref<128xi32, #tpu.memory_space<vmem>>
    %dma_wait3A_75 = arith.constant 0 : i32
    %dma_wait3A_76 = arith.constant 0 : i32
    %dma_wait3A_77 = tpu.memref_slice %arg2[%dma_wait3A_75, %dma_wait3A_76] : memref<10000x128xf32, #tpu.memory_space<hbm>> -> memref<10000x128xf32, #tpu.memory_space<hbm>>
    tpu.wait_indirect_dma semaphore(%arg13 : memref<!tpu.dma_semaphore, #tpu.memory_space<semaphore_mem>>) src(%dma_wait3A_77 : memref<10000x128xf32, #tpu.memory_space<hbm>>) dst(%arg10 : memref<128x128xf32, #tpu.memory_space<vmem>>)
    %dma_start3A_78 = arith.constant 39 : i32
    %dma_start3A_79 = arith.constant 0 : i32
    %dma_start3A_80 = tpu.memref_slice %arg8[%dma_start3A_78, %dma_start3A_79] : memref<40x128xi32, #tpu.memory_space<vmem>> -> memref<1x128xi32, #tpu.memory_space<vmem>>
    %dma_start3A_81 = tpu.memref_squeeze %dma_start3A_80 : memref<1x128xi32, #tpu.memory_space<vmem>> -> memref<128xi32, #tpu.memory_space<vmem>>
    %dma_start3A_82 = arith.constant 0 : i32
    %dma_start3A_83 = arith.constant 0 : i32
    %dma_start3A_84 = tpu.memref_slice %arg11[%dma_start3A_82, %dma_start3A_83] : memref<10240x128xf32, #tpu.memory_space<vmem_shared>> -> memref<10240x128xf32, #tpu.memory_space<vmem_shared>>
    tpu.enqueue_indirect_dma source(%arg10 : memref<128x128xf32, #tpu.memory_space<vmem>>) target(%dma_start3A_84 : memref<10240x128xf32, #tpu.memory_space<vmem_shared>>) offsets(%dma_start3A_81 : memref<128xi32, #tpu.memory_space<vmem>>) semaphore(%arg15 : memref<!tpu.dma_semaphore, #tpu.memory_space<semaphore_mem>>) {add = true}
    %dma_wait3A_85 = arith.constant 39 : i32
    %dma_wait3A_86 = arith.constant 0 : i32
    %dma_wait3A_87 = tpu.memref_slice %arg8[%dma_wait3A_85, %dma_wait3A_86] : memref<40x128xi32, #tpu.memory_space<vmem>> -> memref<1x128xi32, #tpu.memory_space<vmem>>
    %dma_wait3A_88 = tpu.memref_squeeze %dma_wait3A_87 : memref<1x128xi32, #tpu.memory_space<vmem>> -> memref<128xi32, #tpu.memory_space<vmem>>
    %dma_wait3A_89 = arith.constant 0 : i32
    %dma_wait3A_90 = arith.constant 0 : i32
    %dma_wait3A_91 = tpu.memref_slice %arg11[%dma_wait3A_89, %dma_wait3A_90] : memref<10240x128xf32, #tpu.memory_space<vmem_shared>> -> memref<10240x128xf32, #tpu.memory_space<vmem_shared>>
    tpu.wait_indirect_dma semaphore(%arg15 : memref<!tpu.dma_semaphore, #tpu.memory_space<semaphore_mem>>) src(%arg10 : memref<128x128xf32, #tpu.memory_space<vmem>>) dst(%dma_wait3A_91 : memref<10240x128xf32, #tpu.memory_space<vmem_shared>>)
    %mul3A_92 = arith.constant 80 : i32
    %mul3A_93 = arith.muli %add3A, %mul3A_92 : i32
    %add3A_94 = arith.constant 40 : i32
    %add3A_95 = arith.addi %mul3A_93, %add3A_94 : i32
    "tpu.region"() ({
      %run_scoped3A = tpu.sem_alloc : memref<!tpu.dma_semaphore, #tpu.memory_space<semaphore_mem>>
      %dma_start3A_163 = arith.constant 0 : i32
      %dma_start3A_164 = tpu.memref_slice %arg3[%add3A_95, %dma_start3A_163] : memref<2560x128xi32, #tpu.memory_space<hbm>> -> memref<40x128xi32, #tpu.memory_space<hbm>>
      %dma_start3A_165 = arith.constant 0 : i32
      %dma_start3A_166 = tpu.memref_slice %arg3[%add3A_95, %dma_start3A_165] : memref<2560x128xi32, #tpu.memory_space<hbm>> -> memref<40x128xi32, #tpu.memory_space<hbm>>
      tpu.enqueue_dma source(%dma_start3A_166 : memref<40x128xi32, #tpu.memory_space<hbm>>) target(%arg7 : memref<40x128xi32, #tpu.memory_space<vmem>>) target_semaphore(%run_scoped3A : memref<!tpu.dma_semaphore, #tpu.memory_space<semaphore_mem>>)
      %dma_wait3A_167 = arith.constant 0 : i32
      %dma_wait3A_168 = tpu.memref_slice %arg3[%add3A_95, %dma_wait3A_167] : memref<2560x128xi32, #tpu.memory_space<hbm>> -> memref<40x128xi32, #tpu.memory_space<hbm>>
      %dma_wait3A_169 = arith.constant 0 : i32
      %dma_wait3A_170 = tpu.memref_slice %arg3[%add3A_95, %dma_wait3A_169] : memref<2560x128xi32, #tpu.memory_space<hbm>> -> memref<40x128xi32, #tpu.memory_space<hbm>>
      tpu.wait_dma2 semaphore(%run_scoped3A : memref<!tpu.dma_semaphore, #tpu.memory_space<semaphore_mem>>) src(%dma_wait3A_170 : memref<40x128xi32, #tpu.memory_space<hbm>>) dst(%arg7 : memref<40x128xi32, #tpu.memory_space<vmem>>)
      tpu.yield
    }) : () -> ()
    "tpu.region"() ({
      %run_scoped3A = tpu.sem_alloc : memref<!tpu.dma_semaphore, #tpu.memory_space<semaphore_mem>>
      %dma_start3A_163 = arith.constant 0 : i32
      %dma_start3A_164 = tpu.memref_slice %arg4[%add3A_95, %dma_start3A_163] : memref<2560x128xi32, #tpu.memory_space<hbm>> -> memref<40x128xi32, #tpu.memory_space<hbm>>
      %dma_start3A_165 = arith.constant 0 : i32
      %dma_start3A_166 = tpu.memref_slice %arg4[%add3A_95, %dma_start3A_165] : memref<2560x128xi32, #tpu.memory_space<hbm>> -> memref<40x128xi32, #tpu.memory_space<hbm>>
      tpu.enqueue_dma source(%dma_start3A_166 : memref<40x128xi32, #tpu.memory_space<hbm>>) target(%arg8 : memref<40x128xi32, #tpu.memory_space<vmem>>) target_semaphore(%run_scoped3A : memref<!tpu.dma_semaphore, #tpu.memory_space<semaphore_mem>>)
      %dma_wait3A_167 = arith.constant 0 : i32
      %dma_wait3A_168 = tpu.memref_slice %arg4[%add3A_95, %dma_wait3A_167] : memref<2560x128xi32, #tpu.memory_space<hbm>> -> memref<40x128xi32, #tpu.memory_space<hbm>>
      %dma_wait3A_169 = arith.constant 0 : i32
      %dma_wait3A_170 = tpu.memref_slice %arg4[%add3A_95, %dma_wait3A_169] : memref<2560x128xi32, #tpu.memory_space<hbm>> -> memref<40x128xi32, #tpu.memory_space<hbm>>
      tpu.wait_dma2 semaphore(%run_scoped3A : memref<!tpu.dma_semaphore, #tpu.memory_space<semaphore_mem>>) src(%dma_wait3A_170 : memref<40x128xi32, #tpu.memory_space<hbm>>) dst(%arg8 : memref<40x128xi32, #tpu.memory_space<vmem>>)
      tpu.yield
    }) : () -> ()
    %dma_start3A_96 = arith.constant 0 : i32
    %dma_start3A_97 = arith.constant 0 : i32
    %dma_start3A_98 = tpu.memref_slice %arg7[%dma_start3A_96, %dma_start3A_97] : memref<40x128xi32, #tpu.memory_space<vmem>> -> memref<1x128xi32, #tpu.memory_space<vmem>>
    %dma_start3A_99 = tpu.memref_squeeze %dma_start3A_98 : memref<1x128xi32, #tpu.memory_space<vmem>> -> memref<128xi32, #tpu.memory_space<vmem>>
    %dma_start3A_100 = arith.constant 0 : i32
    %dma_start3A_101 = arith.constant 0 : i32
    %dma_start3A_102 = tpu.memref_slice %arg2[%dma_start3A_100, %dma_start3A_101] : memref<10000x128xf32, #tpu.memory_space<hbm>> -> memref<10000x128xf32, #tpu.memory_space<hbm>>
    tpu.enqueue_indirect_dma source(%dma_start3A_102 : memref<10000x128xf32, #tpu.memory_space<hbm>>) target(%arg9 : memref<128x128xf32, #tpu.memory_space<vmem>>) offsets(%dma_start3A_99 : memref<128xi32, #tpu.memory_space<vmem>>) semaphore(%arg12 : memref<!tpu.dma_semaphore, #tpu.memory_space<semaphore_mem>>)
    %dma_start3A_103 = arith.constant 1 : i32
    %dma_start3A_104 = arith.constant 0 : i32
    %dma_start3A_105 = tpu.memref_slice %arg7[%dma_start3A_103, %dma_start3A_104] : memref<40x128xi32, #tpu.memory_space<vmem>> -> memref<1x128xi32, #tpu.memory_space<vmem>>
    %dma_start3A_106 = tpu.memref_squeeze %dma_start3A_105 : memref<1x128xi32, #tpu.memory_space<vmem>> -> memref<128xi32, #tpu.memory_space<vmem>>
    %dma_start3A_107 = arith.constant 0 : i32
    %dma_start3A_108 = arith.constant 0 : i32
    %dma_start3A_109 = tpu.memref_slice %arg2[%dma_start3A_107, %dma_start3A_108] : memref<10000x128xf32, #tpu.memory_space<hbm>> -> memref<10000x128xf32, #tpu.memory_space<hbm>>
    tpu.enqueue_indirect_dma source(%dma_start3A_109 : memref<10000x128xf32, #tpu.memory_space<hbm>>) target(%arg10 : memref<128x128xf32, #tpu.memory_space<vmem>>) offsets(%dma_start3A_106 : memref<128xi32, #tpu.memory_space<vmem>>) semaphore(%arg13 : memref<!tpu.dma_semaphore, #tpu.memory_space<semaphore_mem>>)
    %dma_wait3A_110 = arith.constant 0 : i32
    %dma_wait3A_111 = arith.constant 0 : i32
    %dma_wait3A_112 = tpu.memref_slice %arg7[%dma_wait3A_110, %dma_wait3A_111] : memref<40x128xi32, #tpu.memory_space<vmem>> -> memref<1x128xi32, #tpu.memory_space<vmem>>
    %dma_wait3A_113 = tpu.memref_squeeze %dma_wait3A_112 : memref<1x128xi32, #tpu.memory_space<vmem>> -> memref<128xi32, #tpu.memory_space<vmem>>
    %dma_wait3A_114 = arith.constant 0 : i32
    %dma_wait3A_115 = arith.constant 0 : i32
    %dma_wait3A_116 = tpu.memref_slice %arg2[%dma_wait3A_114, %dma_wait3A_115] : memref<10000x128xf32, #tpu.memory_space<hbm>> -> memref<10000x128xf32, #tpu.memory_space<hbm>>
    tpu.wait_indirect_dma semaphore(%arg12 : memref<!tpu.dma_semaphore, #tpu.memory_space<semaphore_mem>>) src(%dma_wait3A_116 : memref<10000x128xf32, #tpu.memory_space<hbm>>) dst(%arg9 : memref<128x128xf32, #tpu.memory_space<vmem>>)
    %dma_start3A_117 = arith.constant 0 : i32
    %dma_start3A_118 = arith.constant 0 : i32
    %dma_start3A_119 = tpu.memref_slice %arg8[%dma_start3A_117, %dma_start3A_118] : memref<40x128xi32, #tpu.memory_space<vmem>> -> memref<1x128xi32, #tpu.memory_space<vmem>>
    %dma_start3A_120 = tpu.memref_squeeze %dma_start3A_119 : memref<1x128xi32, #tpu.memory_space<vmem>> -> memref<128xi32, #tpu.memory_space<vmem>>
    %dma_start3A_121 = arith.constant 0 : i32
    %dma_start3A_122 = arith.constant 0 : i32
    %dma_start3A_123 = tpu.memref_slice %arg11[%dma_start3A_121, %dma_start3A_122] : memref<10240x128xf32, #tpu.memory_space<vmem_shared>> -> memref<10240x128xf32, #tpu.memory_space<vmem_shared>>
    tpu.enqueue_indirect_dma source(%arg9 : memref<128x128xf32, #tpu.memory_space<vmem>>) target(%dma_start3A_123 : memref<10240x128xf32, #tpu.memory_space<vmem_shared>>) offsets(%dma_start3A_120 : memref<128xi32, #tpu.memory_space<vmem>>) semaphore(%arg14 : memref<!tpu.dma_semaphore, #tpu.memory_space<semaphore_mem>>) {add = true}
    %scan3A_124 = arith.constant 0 : i32
    %scan3A_125 = arith.constant 0 : i32
    %scan3A_126 = arith.constant 19 : i32
    %scan3A_127 = arith.addi %scan3A_125, %scan3A_126 : i32
    %scan3A_128 = arith.constant 1 : i32
    scf.for %scan3A_163 = %scan3A_125 to %scan3A_127 step %scan3A_128  : i32 {
      %mul3A_164 = arith.constant 2 : i32
      %mul3A_165 = arith.muli %scan3A_163, %mul3A_164 : i32
      %add3A_166 = arith.constant 1 : i32
      %add3A_167 = arith.addi %add3A_166, %mul3A_165 : i32
      %add3A_168 = arith.constant 0 : i32
      %add3A_169 = arith.addi %add3A_167, %add3A_168 : i32
      %sub3A = arith.constant 1 : i32
      %sub3A_170 = arith.subi %add3A_169, %sub3A : i32
      %dma_wait3A_171 = arith.constant 0 : i32
      %dma_wait3A_172 = tpu.memref_slice %arg8[%sub3A_170, %dma_wait3A_171] : memref<40x128xi32, #tpu.memory_space<vmem>> -> memref<1x128xi32, #tpu.memory_space<vmem>>
      %dma_wait3A_173 = tpu.memref_squeeze %dma_wait3A_172 : memref<1x128xi32, #tpu.memory_space<vmem>> -> memref<128xi32, #tpu.memory_space<vmem>>
      %dma_wait3A_174 = arith.constant 0 : i32
      %dma_wait3A_175 = arith.constant 0 : i32
      %dma_wait3A_176 = tpu.memref_slice %arg11[%dma_wait3A_174, %dma_wait3A_175] : memref<10240x128xf32, #tpu.memory_space<vmem_shared>> -> memref<10240x128xf32, #tpu.memory_space<vmem_shared>>
      tpu.wait_indirect_dma semaphore(%arg14 : memref<!tpu.dma_semaphore, #tpu.memory_space<semaphore_mem>>) src(%arg9 : memref<128x128xf32, #tpu.memory_space<vmem>>) dst(%dma_wait3A_176 : memref<10240x128xf32, #tpu.memory_space<vmem_shared>>)
      %add3A_177 = arith.constant 1 : i32
      %add3A_178 = arith.addi %add3A_169, %add3A_177 : i32
      %dma_start3A_179 = arith.constant 0 : i32
      %dma_start3A_180 = tpu.memref_slice %arg7[%add3A_178, %dma_start3A_179] : memref<40x128xi32, #tpu.memory_space<vmem>> -> memref<1x128xi32, #tpu.memory_space<vmem>>
      %dma_start3A_181 = tpu.memref_squeeze %dma_start3A_180 : memref<1x128xi32, #tpu.memory_space<vmem>> -> memref<128xi32, #tpu.memory_space<vmem>>
      %dma_start3A_182 = arith.constant 0 : i32
      %dma_start3A_183 = arith.constant 0 : i32
      %dma_start3A_184 = tpu.memref_slice %arg2[%dma_start3A_182, %dma_start3A_183] : memref<10000x128xf32, #tpu.memory_space<hbm>> -> memref<10000x128xf32, #tpu.memory_space<hbm>>
      tpu.enqueue_indirect_dma source(%dma_start3A_184 : memref<10000x128xf32, #tpu.memory_space<hbm>>) target(%arg9 : memref<128x128xf32, #tpu.memory_space<vmem>>) offsets(%dma_start3A_181 : memref<128xi32, #tpu.memory_space<vmem>>) semaphore(%arg12 : memref<!tpu.dma_semaphore, #tpu.memory_space<semaphore_mem>>)
      %dma_wait3A_185 = arith.constant 0 : i32
      %dma_wait3A_186 = tpu.memref_slice %arg7[%add3A_169, %dma_wait3A_185] : memref<40x128xi32, #tpu.memory_space<vmem>> -> memref<1x128xi32, #tpu.memory_space<vmem>>
      %dma_wait3A_187 = tpu.memref_squeeze %dma_wait3A_186 : memref<1x128xi32, #tpu.memory_space<vmem>> -> memref<128xi32, #tpu.memory_space<vmem>>
      %dma_wait3A_188 = arith.constant 0 : i32
      %dma_wait3A_189 = arith.constant 0 : i32
      %dma_wait3A_190 = tpu.memref_slice %arg2[%dma_wait3A_188, %dma_wait3A_189] : memref<10000x128xf32, #tpu.memory_space<hbm>> -> memref<10000x128xf32, #tpu.memory_space<hbm>>
      tpu.wait_indirect_dma semaphore(%arg13 : memref<!tpu.dma_semaphore, #tpu.memory_space<semaphore_mem>>) src(%dma_wait3A_190 : memref<10000x128xf32, #tpu.memory_space<hbm>>) dst(%arg10 : memref<128x128xf32, #tpu.memory_space<vmem>>)
      %dma_start3A_191 = arith.constant 0 : i32
      %dma_start3A_192 = tpu.memref_slice %arg8[%add3A_169, %dma_start3A_191] : memref<40x128xi32, #tpu.memory_space<vmem>> -> memref<1x128xi32, #tpu.memory_space<vmem>>
      %dma_start3A_193 = tpu.memref_squeeze %dma_start3A_192 : memref<1x128xi32, #tpu.memory_space<vmem>> -> memref<128xi32, #tpu.memory_space<vmem>>
      %dma_start3A_194 = arith.constant 0 : i32
      %dma_start3A_195 = arith.constant 0 : i32
      %dma_start3A_196 = tpu.memref_slice %arg11[%dma_start3A_194, %dma_start3A_195] : memref<10240x128xf32, #tpu.memory_space<vmem_shared>> -> memref<10240x128xf32, #tpu.memory_space<vmem_shared>>
      tpu.enqueue_indirect_dma source(%arg10 : memref<128x128xf32, #tpu.memory_space<vmem>>) target(%dma_start3A_196 : memref<10240x128xf32, #tpu.memory_space<vmem_shared>>) offsets(%dma_start3A_193 : memref<128xi32, #tpu.memory_space<vmem>>) semaphore(%arg15 : memref<!tpu.dma_semaphore, #tpu.memory_space<semaphore_mem>>) {add = true}
      %mul3A_197 = arith.constant 2 : i32
      %mul3A_198 = arith.muli %scan3A_163, %mul3A_197 : i32
      %add3A_199 = arith.constant 1 : i32
      %add3A_200 = arith.addi %add3A_199, %mul3A_198 : i32
      %add3A_201 = arith.constant 1 : i32
      %add3A_202 = arith.addi %add3A_200, %add3A_201 : i32
      %sub3A_203 = arith.constant 1 : i32
      %sub3A_204 = arith.subi %add3A_202, %sub3A_203 : i32
      %dma_wait3A_205 = arith.constant 0 : i32
      %dma_wait3A_206 = tpu.memref_slice %arg8[%sub3A_204, %dma_wait3A_205] : memref<40x128xi32, #tpu.memory_space<vmem>> -> memref<1x128xi32, #tpu.memory_space<vmem>>
      %dma_wait3A_207 = tpu.memref_squeeze %dma_wait3A_206 : memref<1x128xi32, #tpu.memory_space<vmem>> -> memref<128xi32, #tpu.memory_space<vmem>>
      %dma_wait3A_208 = arith.constant 0 : i32
      %dma_wait3A_209 = arith.constant 0 : i32
      %dma_wait3A_210 = tpu.memref_slice %arg11[%dma_wait3A_208, %dma_wait3A_209] : memref<10240x128xf32, #tpu.memory_space<vmem_shared>> -> memref<10240x128xf32, #tpu.memory_space<vmem_shared>>
      tpu.wait_indirect_dma semaphore(%arg15 : memref<!tpu.dma_semaphore, #tpu.memory_space<semaphore_mem>>) src(%arg10 : memref<128x128xf32, #tpu.memory_space<vmem>>) dst(%dma_wait3A_210 : memref<10240x128xf32, #tpu.memory_space<vmem_shared>>)
      %add3A_211 = arith.constant 1 : i32
      %add3A_212 = arith.addi %add3A_202, %add3A_211 : i32
      %dma_start3A_213 = arith.constant 0 : i32
      %dma_start3A_214 = tpu.memref_slice %arg7[%add3A_212, %dma_start3A_213] : memref<40x128xi32, #tpu.memory_space<vmem>> -> memref<1x128xi32, #tpu.memory_space<vmem>>
      %dma_start3A_215 = tpu.memref_squeeze %dma_start3A_214 : memref<1x128xi32, #tpu.memory_space<vmem>> -> memref<128xi32, #tpu.memory_space<vmem>>
      %dma_start3A_216 = arith.constant 0 : i32
      %dma_start3A_217 = arith.constant 0 : i32
      %dma_start3A_218 = tpu.memref_slice %arg2[%dma_start3A_216, %dma_start3A_217] : memref<10000x128xf32, #tpu.memory_space<hbm>> -> memref<10000x128xf32, #tpu.memory_space<hbm>>
      tpu.enqueue_indirect_dma source(%dma_start3A_218 : memref<10000x128xf32, #tpu.memory_space<hbm>>) target(%arg10 : memref<128x128xf32, #tpu.memory_space<vmem>>) offsets(%dma_start3A_215 : memref<128xi32, #tpu.memory_space<vmem>>) semaphore(%arg13 : memref<!tpu.dma_semaphore, #tpu.memory_space<semaphore_mem>>)
      %dma_wait3A_219 = arith.constant 0 : i32
      %dma_wait3A_220 = tpu.memref_slice %arg7[%add3A_202, %dma_wait3A_219] : memref<40x128xi32, #tpu.memory_space<vmem>> -> memref<1x128xi32, #tpu.memory_space<vmem>>
      %dma_wait3A_221 = tpu.memref_squeeze %dma_wait3A_220 : memref<1x128xi32, #tpu.memory_space<vmem>> -> memref<128xi32, #tpu.memory_space<vmem>>
      %dma_wait3A_222 = arith.constant 0 : i32
      %dma_wait3A_223 = arith.constant 0 : i32
      %dma_wait3A_224 = tpu.memref_slice %arg2[%dma_wait3A_222, %dma_wait3A_223] : memref<10000x128xf32, #tpu.memory_space<hbm>> -> memref<10000x128xf32, #tpu.memory_space<hbm>>
      tpu.wait_indirect_dma semaphore(%arg12 : memref<!tpu.dma_semaphore, #tpu.memory_space<semaphore_mem>>) src(%dma_wait3A_224 : memref<10000x128xf32, #tpu.memory_space<hbm>>) dst(%arg9 : memref<128x128xf32, #tpu.memory_space<vmem>>)
      %dma_start3A_225 = arith.constant 0 : i32
      %dma_start3A_226 = tpu.memref_slice %arg8[%add3A_202, %dma_start3A_225] : memref<40x128xi32, #tpu.memory_space<vmem>> -> memref<1x128xi32, #tpu.memory_space<vmem>>
      %dma_start3A_227 = tpu.memref_squeeze %dma_start3A_226 : memref<1x128xi32, #tpu.memory_space<vmem>> -> memref<128xi32, #tpu.memory_space<vmem>>
      %dma_start3A_228 = arith.constant 0 : i32
      %dma_start3A_229 = arith.constant 0 : i32
      %dma_start3A_230 = tpu.memref_slice %arg11[%dma_start3A_228, %dma_start3A_229] : memref<10240x128xf32, #tpu.memory_space<vmem_shared>> -> memref<10240x128xf32, #tpu.memory_space<vmem_shared>>
      tpu.enqueue_indirect_dma source(%arg9 : memref<128x128xf32, #tpu.memory_space<vmem>>) target(%dma_start3A_230 : memref<10240x128xf32, #tpu.memory_space<vmem_shared>>) offsets(%dma_start3A_227 : memref<128xi32, #tpu.memory_space<vmem>>) semaphore(%arg14 : memref<!tpu.dma_semaphore, #tpu.memory_space<semaphore_mem>>) {add = true}
    }
    %scan3A_129 = arith.constant 19 : i32
    %dma_wait3A_130 = arith.constant 38 : i32
    %dma_wait3A_131 = arith.constant 0 : i32
    %dma_wait3A_132 = tpu.memref_slice %arg8[%dma_wait3A_130, %dma_wait3A_131] : memref<40x128xi32, #tpu.memory_space<vmem>> -> memref<1x128xi32, #tpu.memory_space<vmem>>
    %dma_wait3A_133 = tpu.memref_squeeze %dma_wait3A_132 : memref<1x128xi32, #tpu.memory_space<vmem>> -> memref<128xi32, #tpu.memory_space<vmem>>
    %dma_wait3A_134 = arith.constant 0 : i32
    %dma_wait3A_135 = arith.constant 0 : i32
    %dma_wait3A_136 = tpu.memref_slice %arg11[%dma_wait3A_134, %dma_wait3A_135] : memref<10240x128xf32, #tpu.memory_space<vmem_shared>> -> memref<10240x128xf32, #tpu.memory_space<vmem_shared>>
    tpu.wait_indirect_dma semaphore(%arg14 : memref<!tpu.dma_semaphore, #tpu.memory_space<semaphore_mem>>) src(%arg9 : memref<128x128xf32, #tpu.memory_space<vmem>>) dst(%dma_wait3A_136 : memref<10240x128xf32, #tpu.memory_space<vmem_shared>>)
    %dma_wait3A_137 = arith.constant 39 : i32
    %dma_wait3A_138 = arith.constant 0 : i32
    %dma_wait3A_139 = tpu.memref_slice %arg7[%dma_wait3A_137, %dma_wait3A_138] : memref<40x128xi32, #tpu.memory_space<vmem>> -> memref<1x128xi32, #tpu.memory_space<vmem>>
    %dma_wait3A_140 = tpu.memref_squeeze %dma_wait3A_139 : memref<1x128xi32, #tpu.memory_space<vmem>> -> memref<128xi32, #tpu.memory_space<vmem>>
    %dma_wait3A_141 = arith.constant 0 : i32
    %dma_wait3A_142 = arith.constant 0 : i32
    %dma_wait3A_143 = tpu.memref_slice %arg2[%dma_wait3A_141, %dma_wait3A_142] : memref<10000x128xf32, #tpu.memory_space<hbm>> -> memref<10000x128xf32, #tpu.memory_space<hbm>>
    tpu.wait_indirect_dma semaphore(%arg13 : memref<!tpu.dma_semaphore, #tpu.memory_space<semaphore_mem>>) src(%dma_wait3A_143 : memref<10000x128xf32, #tpu.memory_space<hbm>>) dst(%arg10 : memref<128x128xf32, #tpu.memory_space<vmem>>)
    %dma_start3A_144 = arith.constant 39 : i32
    %dma_start3A_145 = arith.constant 0 : i32
    %dma_start3A_146 = tpu.memref_slice %arg8[%dma_start3A_144, %dma_start3A_145] : memref<40x128xi32, #tpu.memory_space<vmem>> -> memref<1x128xi32, #tpu.memory_space<vmem>>
    %dma_start3A_147 = tpu.memref_squeeze %dma_start3A_146 : memref<1x128xi32, #tpu.memory_space<vmem>> -> memref<128xi32, #tpu.memory_space<vmem>>
    %dma_start3A_148 = arith.constant 0 : i32
    %dma_start3A_149 = arith.constant 0 : i32
    %dma_start3A_150 = tpu.memref_slice %arg11[%dma_start3A_148, %dma_start3A_149] : memref<10240x128xf32, #tpu.memory_space<vmem_shared>> -> memref<10240x128xf32, #tpu.memory_space<vmem_shared>>
    tpu.enqueue_indirect_dma source(%arg10 : memref<128x128xf32, #tpu.memory_space<vmem>>) target(%dma_start3A_150 : memref<10240x128xf32, #tpu.memory_space<vmem_shared>>) offsets(%dma_start3A_147 : memref<128xi32, #tpu.memory_space<vmem>>) semaphore(%arg15 : memref<!tpu.dma_semaphore, #tpu.memory_space<semaphore_mem>>) {add = true}
    %dma_wait3A_151 = arith.constant 39 : i32
    %dma_wait3A_152 = arith.constant 0 : i32
    %dma_wait3A_153 = tpu.memref_slice %arg8[%dma_wait3A_151, %dma_wait3A_152] : memref<40x128xi32, #tpu.memory_space<vmem>> -> memref<1x128xi32, #tpu.memory_space<vmem>>
    %dma_wait3A_154 = tpu.memref_squeeze %dma_wait3A_153 : memref<1x128xi32, #tpu.memory_space<vmem>> -> memref<128xi32, #tpu.memory_space<vmem>>
    %dma_wait3A_155 = arith.constant 0 : i32
    %dma_wait3A_156 = arith.constant 0 : i32
    %dma_wait3A_157 = tpu.memref_slice %arg11[%dma_wait3A_155, %dma_wait3A_156] : memref<10240x128xf32, #tpu.memory_space<vmem_shared>> -> memref<10240x128xf32, #tpu.memory_space<vmem_shared>>
    tpu.wait_indirect_dma semaphore(%arg15 : memref<!tpu.dma_semaphore, #tpu.memory_space<semaphore_mem>>) src(%arg10 : memref<128x128xf32, #tpu.memory_space<vmem>>) dst(%dma_wait3A_157 : memref<10240x128xf32, #tpu.memory_space<vmem_shared>>)
    %barrier3A_158 = arith.constant 0 : index
    tpu.barrier barrier_id(%barrier3A_158)
    %mul3A_159 = arith.constant 640 : i32
    %mul3A_160 = arith.muli %arg1, %mul3A_159 : i32
    %mul3A_161 = arith.constant 640 : i32
    %mul3A_162 = arith.muli %arg1, %mul3A_161 : i32
    "tpu.region"() ({
      %run_scoped3A = tpu.sem_alloc : memref<!tpu.dma_semaphore, #tpu.memory_space<semaphore_mem>>
      %dma_start3A_163 = arith.constant 0 : i32
      %dma_start3A_164 = tpu.memref_slice %arg6[%arg0, %mul3A_162, %dma_start3A_163] : memref<2x10240x128xf32, #tpu.memory_space<hbm>> -> memref<1x640x128xf32, #tpu.memory_space<hbm>>
      %dma_start3A_165 = tpu.memref_squeeze %dma_start3A_164 : memref<1x640x128xf32, #tpu.memory_space<hbm>> -> memref<640x128xf32, #tpu.memory_space<hbm>>
      %dma_start3A_166 = arith.constant 0 : i32
      %dma_start3A_167 = tpu.memref_slice %arg11[%mul3A_160, %dma_start3A_166] : memref<10240x128xf32, #tpu.memory_space<vmem_shared>> -> memref<640x128xf32, #tpu.memory_space<vmem_shared>>
      tpu.enqueue_dma source(%dma_start3A_167 : memref<640x128xf32, #tpu.memory_space<vmem_shared>>) target(%dma_start3A_165 : memref<640x128xf32, #tpu.memory_space<hbm>>) target_semaphore(%run_scoped3A : memref<!tpu.dma_semaphore, #tpu.memory_space<semaphore_mem>>)
      %dma_wait3A_168 = arith.constant 0 : i32
      %dma_wait3A_169 = tpu.memref_slice %arg6[%arg0, %mul3A_162, %dma_wait3A_168] : memref<2x10240x128xf32, #tpu.memory_space<hbm>> -> memref<1x640x128xf32, #tpu.memory_space<hbm>>
      %dma_wait3A_170 = tpu.memref_squeeze %dma_wait3A_169 : memref<1x640x128xf32, #tpu.memory_space<hbm>> -> memref<640x128xf32, #tpu.memory_space<hbm>>
      %dma_wait3A_171 = arith.constant 0 : i32
      %dma_wait3A_172 = tpu.memref_slice %arg11[%mul3A_160, %dma_wait3A_171] : memref<10240x128xf32, #tpu.memory_space<vmem_shared>> -> memref<640x128xf32, #tpu.memory_space<vmem_shared>>
      tpu.wait_dma2 semaphore(%run_scoped3A : memref<!tpu.dma_semaphore, #tpu.memory_space<semaphore_mem>>) src(%dma_wait3A_172 : memref<640x128xf32, #tpu.memory_space<vmem_shared>>) dst(%dma_wait3A_170 : memref<640x128xf32, #tpu.memory_space<hbm>>)
      tpu.yield
    }) : () -> ()
    return
  }
}

#map = affine_map<(d0, d1) -> (0, 0)>
#map1 = affine_map<(d0, d1) -> (0, 0, 0)>
module attributes {stable_mosaic.version = 14 : i64} {
  func.func @_scatter_kernel(%arg0: i32, %arg1: i32, %arg2: memref<10000x128xf32, #tpu.memory_space<hbm>>, %arg3: memref<2560x128xi32, #tpu.memory_space<hbm>>, %arg4: memref<2560x128xi32, #tpu.memory_space<hbm>>, %arg5: memref<10240x128xf32, #tpu.memory_space<hbm>>, %arg6: memref<2x10240x128xf32, #tpu.memory_space<hbm>>, %arg7: memref<40x128xi32, #tpu.memory_space<vmem>>, %arg8: memref<40x128xi32, #tpu.memory_space<vmem>>, %arg9: memref<128x128xf32, #tpu.memory_space<vmem>>, %arg10: memref<128x128xf32, #tpu.memory_space<vmem>>, %arg11: memref<10240x128xf32, #tpu.memory_space<vmem_shared>>, %arg12: memref<!tpu.dma_semaphore, #tpu.memory_space<semaphore_mem>>, %arg13: memref<!tpu.dma_semaphore, #tpu.memory_space<semaphore_mem>>, %arg14: memref<!tpu.dma_semaphore, #tpu.memory_space<semaphore_mem>>, %arg15: memref<!tpu.dma_semaphore, #tpu.memory_space<semaphore_mem>>) attributes {dimension_semantics = [#tpu.dimension_semantics<core_parallel>, #tpu.dimension_semantics<subcore_parallel>], iteration_bounds = array<i64: 2, 16>, scalar_prefetch = 0 : i64, scratch_operands = 9 : i64, tpu.core_type = #tpu.core_type<sc_vector_subcore>, window_params = [{transform_indices = #map}, {transform_indices = #map}, {transform_indices = #map}, {transform_indices = #map}, {transform_indices = #map1}]} {
    %mul3A = arith.constant 2 : i32
    %mul3A_0 = arith.muli %arg1, %mul3A : i32
    %add3A = arith.addi %mul3A_0, %arg0 : i32
    %mul3A_1 = arith.constant 640 : i32
    %mul3A_2 = arith.muli %arg1, %mul3A_1 : i32
    %mul3A_3 = arith.constant 640 : i32
    %mul3A_4 = arith.muli %arg1, %mul3A_3 : i32
    %dma_start3A = arith.constant 0 : i32
    %dma_start3A_5 = tpu.memref_slice %arg11[%mul3A_4, %dma_start3A] : memref<10240x128xf32, #tpu.memory_space<vmem_shared>> -> memref<640x128xf32, #tpu.memory_space<vmem_shared>>
    %dma_start3A_6 = arith.constant 0 : i32
    %dma_start3A_7 = tpu.memref_slice %arg5[%mul3A_2, %dma_start3A_6] : memref<10240x128xf32, #tpu.memory_space<hbm>> -> memref<640x128xf32, #tpu.memory_space<hbm>>
    tpu.enqueue_dma source(%dma_start3A_7 : memref<640x128xf32, #tpu.memory_space<hbm>>) target(%dma_start3A_5 : memref<640x128xf32, #tpu.memory_space<vmem_shared>>) target_semaphore(%arg12 : memref<!tpu.dma_semaphore, #tpu.memory_space<semaphore_mem>>)
    %mul3A_8 = arith.constant 80 : i32
    %mul3A_9 = arith.muli %add3A, %mul3A_8 : i32
    %dma_start3A_10 = arith.constant 0 : i32
    %dma_start3A_11 = tpu.memref_slice %arg3[%mul3A_9, %dma_start3A_10] : memref<2560x128xi32, #tpu.memory_space<hbm>> -> memref<40x128xi32, #tpu.memory_space<hbm>>
    %dma_start3A_12 = arith.constant 0 : i32
    %dma_start3A_13 = tpu.memref_slice %arg3[%mul3A_9, %dma_start3A_12] : memref<2560x128xi32, #tpu.memory_space<hbm>> -> memref<40x128xi32, #tpu.memory_space<hbm>>
    tpu.enqueue_dma source(%dma_start3A_13 : memref<40x128xi32, #tpu.memory_space<hbm>>) target(%arg7 : memref<40x128xi32, #tpu.memory_space<vmem>>) target_semaphore(%arg13 : memref<!tpu.dma_semaphore, #tpu.memory_space<semaphore_mem>>)
    %mul3A_14 = arith.constant 80 : i32
    %mul3A_15 = arith.muli %add3A, %mul3A_14 : i32
    %dma_start3A_16 = arith.constant 0 : i32
    %dma_start3A_17 = tpu.memref_slice %arg4[%mul3A_15, %dma_start3A_16] : memref<2560x128xi32, #tpu.memory_space<hbm>> -> memref<40x128xi32, #tpu.memory_space<hbm>>
    %dma_start3A_18 = arith.constant 0 : i32
    %dma_start3A_19 = tpu.memref_slice %arg4[%mul3A_15, %dma_start3A_18] : memref<2560x128xi32, #tpu.memory_space<hbm>> -> memref<40x128xi32, #tpu.memory_space<hbm>>
    tpu.enqueue_dma source(%dma_start3A_19 : memref<40x128xi32, #tpu.memory_space<hbm>>) target(%arg8 : memref<40x128xi32, #tpu.memory_space<vmem>>) target_semaphore(%arg14 : memref<!tpu.dma_semaphore, #tpu.memory_space<semaphore_mem>>)
    %dma_wait3A = arith.constant 0 : i32
    %dma_wait3A_20 = tpu.memref_slice %arg11[%mul3A_4, %dma_wait3A] : memref<10240x128xf32, #tpu.memory_space<vmem_shared>> -> memref<640x128xf32, #tpu.memory_space<vmem_shared>>
    %dma_wait3A_21 = arith.constant 0 : i32
    %dma_wait3A_22 = tpu.memref_slice %arg5[%mul3A_2, %dma_wait3A_21] : memref<10240x128xf32, #tpu.memory_space<hbm>> -> memref<640x128xf32, #tpu.memory_space<hbm>>
    tpu.wait_dma2 semaphore(%arg12 : memref<!tpu.dma_semaphore, #tpu.memory_space<semaphore_mem>>) src(%dma_wait3A_22 : memref<640x128xf32, #tpu.memory_space<hbm>>) dst(%dma_wait3A_20 : memref<640x128xf32, #tpu.memory_space<vmem_shared>>)
    %dma_wait3A_23 = arith.constant 0 : i32
    %dma_wait3A_24 = tpu.memref_slice %arg3[%mul3A_9, %dma_wait3A_23] : memref<2560x128xi32, #tpu.memory_space<hbm>> -> memref<40x128xi32, #tpu.memory_space<hbm>>
    %dma_wait3A_25 = arith.constant 0 : i32
    %dma_wait3A_26 = tpu.memref_slice %arg3[%mul3A_9, %dma_wait3A_25] : memref<2560x128xi32, #tpu.memory_space<hbm>> -> memref<40x128xi32, #tpu.memory_space<hbm>>
    tpu.wait_dma2 semaphore(%arg13 : memref<!tpu.dma_semaphore, #tpu.memory_space<semaphore_mem>>) src(%dma_wait3A_26 : memref<40x128xi32, #tpu.memory_space<hbm>>) dst(%arg7 : memref<40x128xi32, #tpu.memory_space<vmem>>)
    %dma_wait3A_27 = arith.constant 0 : i32
    %dma_wait3A_28 = tpu.memref_slice %arg4[%mul3A_15, %dma_wait3A_27] : memref<2560x128xi32, #tpu.memory_space<hbm>> -> memref<40x128xi32, #tpu.memory_space<hbm>>
    %dma_wait3A_29 = arith.constant 0 : i32
    %dma_wait3A_30 = tpu.memref_slice %arg4[%mul3A_15, %dma_wait3A_29] : memref<2560x128xi32, #tpu.memory_space<hbm>> -> memref<40x128xi32, #tpu.memory_space<hbm>>
    tpu.wait_dma2 semaphore(%arg14 : memref<!tpu.dma_semaphore, #tpu.memory_space<semaphore_mem>>) src(%dma_wait3A_30 : memref<40x128xi32, #tpu.memory_space<hbm>>) dst(%arg8 : memref<40x128xi32, #tpu.memory_space<vmem>>)
    %barrier3A = arith.constant 0 : index
    tpu.barrier barrier_id(%barrier3A)
    %dma_start3A_31 = arith.constant 0 : i32
    %dma_start3A_32 = arith.constant 0 : i32
    %dma_start3A_33 = tpu.memref_slice %arg7[%dma_start3A_31, %dma_start3A_32] : memref<40x128xi32, #tpu.memory_space<vmem>> -> memref<1x128xi32, #tpu.memory_space<vmem>>
    %dma_start3A_34 = tpu.memref_squeeze %dma_start3A_33 : memref<1x128xi32, #tpu.memory_space<vmem>> -> memref<128xi32, #tpu.memory_space<vmem>>
    %dma_start3A_35 = arith.constant 0 : i32
    %dma_start3A_36 = arith.constant 0 : i32
    %dma_start3A_37 = tpu.memref_slice %arg2[%dma_start3A_35, %dma_start3A_36] : memref<10000x128xf32, #tpu.memory_space<hbm>> -> memref<10000x128xf32, #tpu.memory_space<hbm>>
    tpu.enqueue_indirect_dma source(%dma_start3A_37 : memref<10000x128xf32, #tpu.memory_space<hbm>>) target(%arg9 : memref<128x128xf32, #tpu.memory_space<vmem>>) offsets(%dma_start3A_34 : memref<128xi32, #tpu.memory_space<vmem>>) semaphore(%arg12 : memref<!tpu.dma_semaphore, #tpu.memory_space<semaphore_mem>>)
    %dma_start3A_38 = arith.constant 1 : i32
    %dma_start3A_39 = arith.constant 0 : i32
    %dma_start3A_40 = tpu.memref_slice %arg7[%dma_start3A_38, %dma_start3A_39] : memref<40x128xi32, #tpu.memory_space<vmem>> -> memref<1x128xi32, #tpu.memory_space<vmem>>
    %dma_start3A_41 = tpu.memref_squeeze %dma_start3A_40 : memref<1x128xi32, #tpu.memory_space<vmem>> -> memref<128xi32, #tpu.memory_space<vmem>>
    %dma_start3A_42 = arith.constant 0 : i32
    %dma_start3A_43 = arith.constant 0 : i32
    %dma_start3A_44 = tpu.memref_slice %arg2[%dma_start3A_42, %dma_start3A_43] : memref<10000x128xf32, #tpu.memory_space<hbm>> -> memref<10000x128xf32, #tpu.memory_space<hbm>>
    tpu.enqueue_indirect_dma source(%dma_start3A_44 : memref<10000x128xf32, #tpu.memory_space<hbm>>) target(%arg10 : memref<128x128xf32, #tpu.memory_space<vmem>>) offsets(%dma_start3A_41 : memref<128xi32, #tpu.memory_space<vmem>>) semaphore(%arg13 : memref<!tpu.dma_semaphore, #tpu.memory_space<semaphore_mem>>)
    %dma_wait3A_45 = arith.constant 0 : i32
    %dma_wait3A_46 = arith.constant 0 : i32
    %dma_wait3A_47 = tpu.memref_slice %arg7[%dma_wait3A_45, %dma_wait3A_46] : memref<40x128xi32, #tpu.memory_space<vmem>> -> memref<1x128xi32, #tpu.memory_space<vmem>>
    %dma_wait3A_48 = tpu.memref_squeeze %dma_wait3A_47 : memref<1x128xi32, #tpu.memory_space<vmem>> -> memref<128xi32, #tpu.memory_space<vmem>>
    %dma_wait3A_49 = arith.constant 0 : i32
    %dma_wait3A_50 = arith.constant 0 : i32
    %dma_wait3A_51 = tpu.memref_slice %arg2[%dma_wait3A_49, %dma_wait3A_50] : memref<10000x128xf32, #tpu.memory_space<hbm>> -> memref<10000x128xf32, #tpu.memory_space<hbm>>
    tpu.wait_indirect_dma semaphore(%arg12 : memref<!tpu.dma_semaphore, #tpu.memory_space<semaphore_mem>>) src(%dma_wait3A_51 : memref<10000x128xf32, #tpu.memory_space<hbm>>) dst(%arg9 : memref<128x128xf32, #tpu.memory_space<vmem>>)
    %dma_start3A_52 = arith.constant 0 : i32
    %dma_start3A_53 = arith.constant 0 : i32
    %dma_start3A_54 = tpu.memref_slice %arg8[%dma_start3A_52, %dma_start3A_53] : memref<40x128xi32, #tpu.memory_space<vmem>> -> memref<1x128xi32, #tpu.memory_space<vmem>>
    %dma_start3A_55 = tpu.memref_squeeze %dma_start3A_54 : memref<1x128xi32, #tpu.memory_space<vmem>> -> memref<128xi32, #tpu.memory_space<vmem>>
    %dma_start3A_56 = arith.constant 0 : i32
    %dma_start3A_57 = arith.constant 0 : i32
    %dma_start3A_58 = tpu.memref_slice %arg11[%dma_start3A_56, %dma_start3A_57] : memref<10240x128xf32, #tpu.memory_space<vmem_shared>> -> memref<10240x128xf32, #tpu.memory_space<vmem_shared>>
    tpu.enqueue_indirect_dma source(%arg9 : memref<128x128xf32, #tpu.memory_space<vmem>>) target(%dma_start3A_58 : memref<10240x128xf32, #tpu.memory_space<vmem_shared>>) offsets(%dma_start3A_55 : memref<128xi32, #tpu.memory_space<vmem>>) semaphore(%arg14 : memref<!tpu.dma_semaphore, #tpu.memory_space<semaphore_mem>>) {add = true}
    %scan3A = arith.constant 0 : i32
    %scan3A_59 = arith.constant 0 : i32
    %scan3A_60 = arith.constant 19 : i32
    %scan3A_61 = arith.addi %scan3A_59, %scan3A_60 : i32
    %scan3A_62 = arith.constant 1 : i32
    scf.for %scan3A_163 = %scan3A_59 to %scan3A_61 step %scan3A_62  : i32 {
      %mul3A_164 = arith.constant 2 : i32
      %mul3A_165 = arith.muli %scan3A_163, %mul3A_164 : i32
      %add3A_166 = arith.constant 1 : i32
      %add3A_167 = arith.addi %add3A_166, %mul3A_165 : i32
      %add3A_168 = arith.constant 0 : i32
      %add3A_169 = arith.addi %add3A_167, %add3A_168 : i32
      %sub3A = arith.constant 1 : i32
      %sub3A_170 = arith.subi %add3A_169, %sub3A : i32
      %dma_wait3A_171 = arith.constant 0 : i32
      %dma_wait3A_172 = tpu.memref_slice %arg8[%sub3A_170, %dma_wait3A_171] : memref<40x128xi32, #tpu.memory_space<vmem>> -> memref<1x128xi32, #tpu.memory_space<vmem>>
      %dma_wait3A_173 = tpu.memref_squeeze %dma_wait3A_172 : memref<1x128xi32, #tpu.memory_space<vmem>> -> memref<128xi32, #tpu.memory_space<vmem>>
      %dma_wait3A_174 = arith.constant 0 : i32
      %dma_wait3A_175 = arith.constant 0 : i32
      %dma_wait3A_176 = tpu.memref_slice %arg11[%dma_wait3A_174, %dma_wait3A_175] : memref<10240x128xf32, #tpu.memory_space<vmem_shared>> -> memref<10240x128xf32, #tpu.memory_space<vmem_shared>>
      tpu.wait_indirect_dma semaphore(%arg14 : memref<!tpu.dma_semaphore, #tpu.memory_space<semaphore_mem>>) src(%arg9 : memref<128x128xf32, #tpu.memory_space<vmem>>) dst(%dma_wait3A_176 : memref<10240x128xf32, #tpu.memory_space<vmem_shared>>)
      %add3A_177 = arith.constant 1 : i32
      %add3A_178 = arith.addi %add3A_169, %add3A_177 : i32
      %dma_start3A_179 = arith.constant 0 : i32
      %dma_start3A_180 = tpu.memref_slice %arg7[%add3A_178, %dma_start3A_179] : memref<40x128xi32, #tpu.memory_space<vmem>> -> memref<1x128xi32, #tpu.memory_space<vmem>>
      %dma_start3A_181 = tpu.memref_squeeze %dma_start3A_180 : memref<1x128xi32, #tpu.memory_space<vmem>> -> memref<128xi32, #tpu.memory_space<vmem>>
      %dma_start3A_182 = arith.constant 0 : i32
      %dma_start3A_183 = arith.constant 0 : i32
      %dma_start3A_184 = tpu.memref_slice %arg2[%dma_start3A_182, %dma_start3A_183] : memref<10000x128xf32, #tpu.memory_space<hbm>> -> memref<10000x128xf32, #tpu.memory_space<hbm>>
      tpu.enqueue_indirect_dma source(%dma_start3A_184 : memref<10000x128xf32, #tpu.memory_space<hbm>>) target(%arg9 : memref<128x128xf32, #tpu.memory_space<vmem>>) offsets(%dma_start3A_181 : memref<128xi32, #tpu.memory_space<vmem>>) semaphore(%arg12 : memref<!tpu.dma_semaphore, #tpu.memory_space<semaphore_mem>>)
      %dma_wait3A_185 = arith.constant 0 : i32
      %dma_wait3A_186 = tpu.memref_slice %arg7[%add3A_169, %dma_wait3A_185] : memref<40x128xi32, #tpu.memory_space<vmem>> -> memref<1x128xi32, #tpu.memory_space<vmem>>
      %dma_wait3A_187 = tpu.memref_squeeze %dma_wait3A_186 : memref<1x128xi32, #tpu.memory_space<vmem>> -> memref<128xi32, #tpu.memory_space<vmem>>
      %dma_wait3A_188 = arith.constant 0 : i32
      %dma_wait3A_189 = arith.constant 0 : i32
      %dma_wait3A_190 = tpu.memref_slice %arg2[%dma_wait3A_188, %dma_wait3A_189] : memref<10000x128xf32, #tpu.memory_space<hbm>> -> memref<10000x128xf32, #tpu.memory_space<hbm>>
      tpu.wait_indirect_dma semaphore(%arg13 : memref<!tpu.dma_semaphore, #tpu.memory_space<semaphore_mem>>) src(%dma_wait3A_190 : memref<10000x128xf32, #tpu.memory_space<hbm>>) dst(%arg10 : memref<128x128xf32, #tpu.memory_space<vmem>>)
      %dma_start3A_191 = arith.constant 0 : i32
      %dma_start3A_192 = tpu.memref_slice %arg8[%add3A_169, %dma_start3A_191] : memref<40x128xi32, #tpu.memory_space<vmem>> -> memref<1x128xi32, #tpu.memory_space<vmem>>
      %dma_start3A_193 = tpu.memref_squeeze %dma_start3A_192 : memref<1x128xi32, #tpu.memory_space<vmem>> -> memref<128xi32, #tpu.memory_space<vmem>>
      %dma_start3A_194 = arith.constant 0 : i32
      %dma_start3A_195 = arith.constant 0 : i32
      %dma_start3A_196 = tpu.memref_slice %arg11[%dma_start3A_194, %dma_start3A_195] : memref<10240x128xf32, #tpu.memory_space<vmem_shared>> -> memref<10240x128xf32, #tpu.memory_space<vmem_shared>>
      tpu.enqueue_indirect_dma source(%arg10 : memref<128x128xf32, #tpu.memory_space<vmem>>) target(%dma_start3A_196 : memref<10240x128xf32, #tpu.memory_space<vmem_shared>>) offsets(%dma_start3A_193 : memref<128xi32, #tpu.memory_space<vmem>>) semaphore(%arg15 : memref<!tpu.dma_semaphore, #tpu.memory_space<semaphore_mem>>) {add = true}
      %mul3A_197 = arith.constant 2 : i32
      %mul3A_198 = arith.muli %scan3A_163, %mul3A_197 : i32
      %add3A_199 = arith.constant 1 : i32
      %add3A_200 = arith.addi %add3A_199, %mul3A_198 : i32
      %add3A_201 = arith.constant 1 : i32
      %add3A_202 = arith.addi %add3A_200, %add3A_201 : i32
      %sub3A_203 = arith.constant 1 : i32
      %sub3A_204 = arith.subi %add3A_202, %sub3A_203 : i32
      %dma_wait3A_205 = arith.constant 0 : i32
      %dma_wait3A_206 = tpu.memref_slice %arg8[%sub3A_204, %dma_wait3A_205] : memref<40x128xi32, #tpu.memory_space<vmem>> -> memref<1x128xi32, #tpu.memory_space<vmem>>
      %dma_wait3A_207 = tpu.memref_squeeze %dma_wait3A_206 : memref<1x128xi32, #tpu.memory_space<vmem>> -> memref<128xi32, #tpu.memory_space<vmem>>
      %dma_wait3A_208 = arith.constant 0 : i32
      %dma_wait3A_209 = arith.constant 0 : i32
      %dma_wait3A_210 = tpu.memref_slice %arg11[%dma_wait3A_208, %dma_wait3A_209] : memref<10240x128xf32, #tpu.memory_space<vmem_shared>> -> memref<10240x128xf32, #tpu.memory_space<vmem_shared>>
      tpu.wait_indirect_dma semaphore(%arg15 : memref<!tpu.dma_semaphore, #tpu.memory_space<semaphore_mem>>) src(%arg10 : memref<128x128xf32, #tpu.memory_space<vmem>>) dst(%dma_wait3A_210 : memref<10240x128xf32, #tpu.memory_space<vmem_shared>>)
      %add3A_211 = arith.constant 1 : i32
      %add3A_212 = arith.addi %add3A_202, %add3A_211 : i32
      %dma_start3A_213 = arith.constant 0 : i32
      %dma_start3A_214 = tpu.memref_slice %arg7[%add3A_212, %dma_start3A_213] : memref<40x128xi32, #tpu.memory_space<vmem>> -> memref<1x128xi32, #tpu.memory_space<vmem>>
      %dma_start3A_215 = tpu.memref_squeeze %dma_start3A_214 : memref<1x128xi32, #tpu.memory_space<vmem>> -> memref<128xi32, #tpu.memory_space<vmem>>
      %dma_start3A_216 = arith.constant 0 : i32
      %dma_start3A_217 = arith.constant 0 : i32
      %dma_start3A_218 = tpu.memref_slice %arg2[%dma_start3A_216, %dma_start3A_217] : memref<10000x128xf32, #tpu.memory_space<hbm>> -> memref<10000x128xf32, #tpu.memory_space<hbm>>
      tpu.enqueue_indirect_dma source(%dma_start3A_218 : memref<10000x128xf32, #tpu.memory_space<hbm>>) target(%arg10 : memref<128x128xf32, #tpu.memory_space<vmem>>) offsets(%dma_start3A_215 : memref<128xi32, #tpu.memory_space<vmem>>) semaphore(%arg13 : memref<!tpu.dma_semaphore, #tpu.memory_space<semaphore_mem>>)
      %dma_wait3A_219 = arith.constant 0 : i32
      %dma_wait3A_220 = tpu.memref_slice %arg7[%add3A_202, %dma_wait3A_219] : memref<40x128xi32, #tpu.memory_space<vmem>> -> memref<1x128xi32, #tpu.memory_space<vmem>>
      %dma_wait3A_221 = tpu.memref_squeeze %dma_wait3A_220 : memref<1x128xi32, #tpu.memory_space<vmem>> -> memref<128xi32, #tpu.memory_space<vmem>>
      %dma_wait3A_222 = arith.constant 0 : i32
      %dma_wait3A_223 = arith.constant 0 : i32
      %dma_wait3A_224 = tpu.memref_slice %arg2[%dma_wait3A_222, %dma_wait3A_223] : memref<10000x128xf32, #tpu.memory_space<hbm>> -> memref<10000x128xf32, #tpu.memory_space<hbm>>
      tpu.wait_indirect_dma semaphore(%arg12 : memref<!tpu.dma_semaphore, #tpu.memory_space<semaphore_mem>>) src(%dma_wait3A_224 : memref<10000x128xf32, #tpu.memory_space<hbm>>) dst(%arg9 : memref<128x128xf32, #tpu.memory_space<vmem>>)
      %dma_start3A_225 = arith.constant 0 : i32
      %dma_start3A_226 = tpu.memref_slice %arg8[%add3A_202, %dma_start3A_225] : memref<40x128xi32, #tpu.memory_space<vmem>> -> memref<1x128xi32, #tpu.memory_space<vmem>>
      %dma_start3A_227 = tpu.memref_squeeze %dma_start3A_226 : memref<1x128xi32, #tpu.memory_space<vmem>> -> memref<128xi32, #tpu.memory_space<vmem>>
      %dma_start3A_228 = arith.constant 0 : i32
      %dma_start3A_229 = arith.constant 0 : i32
      %dma_start3A_230 = tpu.memref_slice %arg11[%dma_start3A_228, %dma_start3A_229] : memref<10240x128xf32, #tpu.memory_space<vmem_shared>> -> memref<10240x128xf32, #tpu.memory_space<vmem_shared>>
      tpu.enqueue_indirect_dma source(%arg9 : memref<128x128xf32, #tpu.memory_space<vmem>>) target(%dma_start3A_230 : memref<10240x128xf32, #tpu.memory_space<vmem_shared>>) offsets(%dma_start3A_227 : memref<128xi32, #tpu.memory_space<vmem>>) semaphore(%arg14 : memref<!tpu.dma_semaphore, #tpu.memory_space<semaphore_mem>>) {add = true}
    }
    %scan3A_63 = arith.constant 19 : i32
    %dma_wait3A_64 = arith.constant 38 : i32
    %dma_wait3A_65 = arith.constant 0 : i32
    %dma_wait3A_66 = tpu.memref_slice %arg8[%dma_wait3A_64, %dma_wait3A_65] : memref<40x128xi32, #tpu.memory_space<vmem>> -> memref<1x128xi32, #tpu.memory_space<vmem>>
    %dma_wait3A_67 = tpu.memref_squeeze %dma_wait3A_66 : memref<1x128xi32, #tpu.memory_space<vmem>> -> memref<128xi32, #tpu.memory_space<vmem>>
    %dma_wait3A_68 = arith.constant 0 : i32
    %dma_wait3A_69 = arith.constant 0 : i32
    %dma_wait3A_70 = tpu.memref_slice %arg11[%dma_wait3A_68, %dma_wait3A_69] : memref<10240x128xf32, #tpu.memory_space<vmem_shared>> -> memref<10240x128xf32, #tpu.memory_space<vmem_shared>>
    tpu.wait_indirect_dma semaphore(%arg14 : memref<!tpu.dma_semaphore, #tpu.memory_space<semaphore_mem>>) src(%arg9 : memref<128x128xf32, #tpu.memory_space<vmem>>) dst(%dma_wait3A_70 : memref<10240x128xf32, #tpu.memory_space<vmem_shared>>)
    %dma_wait3A_71 = arith.constant 39 : i32
    %dma_wait3A_72 = arith.constant 0 : i32
    %dma_wait3A_73 = tpu.memref_slice %arg7[%dma_wait3A_71, %dma_wait3A_72] : memref<40x128xi32, #tpu.memory_space<vmem>> -> memref<1x128xi32, #tpu.memory_space<vmem>>
    %dma_wait3A_74 = tpu.memref_squeeze %dma_wait3A_73 : memref<1x128xi32, #tpu.memory_space<vmem>> -> memref<128xi32, #tpu.memory_space<vmem>>
    %dma_wait3A_75 = arith.constant 0 : i32
    %dma_wait3A_76 = arith.constant 0 : i32
    %dma_wait3A_77 = tpu.memref_slice %arg2[%dma_wait3A_75, %dma_wait3A_76] : memref<10000x128xf32, #tpu.memory_space<hbm>> -> memref<10000x128xf32, #tpu.memory_space<hbm>>
    tpu.wait_indirect_dma semaphore(%arg13 : memref<!tpu.dma_semaphore, #tpu.memory_space<semaphore_mem>>) src(%dma_wait3A_77 : memref<10000x128xf32, #tpu.memory_space<hbm>>) dst(%arg10 : memref<128x128xf32, #tpu.memory_space<vmem>>)
    %dma_start3A_78 = arith.constant 39 : i32
    %dma_start3A_79 = arith.constant 0 : i32
    %dma_start3A_80 = tpu.memref_slice %arg8[%dma_start3A_78, %dma_start3A_79] : memref<40x128xi32, #tpu.memory_space<vmem>> -> memref<1x128xi32, #tpu.memory_space<vmem>>
    %dma_start3A_81 = tpu.memref_squeeze %dma_start3A_80 : memref<1x128xi32, #tpu.memory_space<vmem>> -> memref<128xi32, #tpu.memory_space<vmem>>
    %dma_start3A_82 = arith.constant 0 : i32
    %dma_start3A_83 = arith.constant 0 : i32
    %dma_start3A_84 = tpu.memref_slice %arg11[%dma_start3A_82, %dma_start3A_83] : memref<10240x128xf32, #tpu.memory_space<vmem_shared>> -> memref<10240x128xf32, #tpu.memory_space<vmem_shared>>
    tpu.enqueue_indirect_dma source(%arg10 : memref<128x128xf32, #tpu.memory_space<vmem>>) target(%dma_start3A_84 : memref<10240x128xf32, #tpu.memory_space<vmem_shared>>) offsets(%dma_start3A_81 : memref<128xi32, #tpu.memory_space<vmem>>) semaphore(%arg15 : memref<!tpu.dma_semaphore, #tpu.memory_space<semaphore_mem>>) {add = true}
    %dma_wait3A_85 = arith.constant 39 : i32
    %dma_wait3A_86 = arith.constant 0 : i32
    %dma_wait3A_87 = tpu.memref_slice %arg8[%dma_wait3A_85, %dma_wait3A_86] : memref<40x128xi32, #tpu.memory_space<vmem>> -> memref<1x128xi32, #tpu.memory_space<vmem>>
    %dma_wait3A_88 = tpu.memref_squeeze %dma_wait3A_87 : memref<1x128xi32, #tpu.memory_space<vmem>> -> memref<128xi32, #tpu.memory_space<vmem>>
    %dma_wait3A_89 = arith.constant 0 : i32
    %dma_wait3A_90 = arith.constant 0 : i32
    %dma_wait3A_91 = tpu.memref_slice %arg11[%dma_wait3A_89, %dma_wait3A_90] : memref<10240x128xf32, #tpu.memory_space<vmem_shared>> -> memref<10240x128xf32, #tpu.memory_space<vmem_shared>>
    tpu.wait_indirect_dma semaphore(%arg15 : memref<!tpu.dma_semaphore, #tpu.memory_space<semaphore_mem>>) src(%arg10 : memref<128x128xf32, #tpu.memory_space<vmem>>) dst(%dma_wait3A_91 : memref<10240x128xf32, #tpu.memory_space<vmem_shared>>)
    %mul3A_92 = arith.constant 80 : i32
    %mul3A_93 = arith.muli %add3A, %mul3A_92 : i32
    %add3A_94 = arith.constant 40 : i32
    %add3A_95 = arith.addi %mul3A_93, %add3A_94 : i32
    "tpu.region"() ({
      %run_scoped3A = tpu.sem_alloc : memref<!tpu.dma_semaphore, #tpu.memory_space<semaphore_mem>>
      %dma_start3A_163 = arith.constant 0 : i32
      %dma_start3A_164 = tpu.memref_slice %arg3[%add3A_95, %dma_start3A_163] : memref<2560x128xi32, #tpu.memory_space<hbm>> -> memref<40x128xi32, #tpu.memory_space<hbm>>
      %dma_start3A_165 = arith.constant 0 : i32
      %dma_start3A_166 = tpu.memref_slice %arg3[%add3A_95, %dma_start3A_165] : memref<2560x128xi32, #tpu.memory_space<hbm>> -> memref<40x128xi32, #tpu.memory_space<hbm>>
      tpu.enqueue_dma source(%dma_start3A_166 : memref<40x128xi32, #tpu.memory_space<hbm>>) target(%arg7 : memref<40x128xi32, #tpu.memory_space<vmem>>) target_semaphore(%run_scoped3A : memref<!tpu.dma_semaphore, #tpu.memory_space<semaphore_mem>>)
      %dma_wait3A_167 = arith.constant 0 : i32
      %dma_wait3A_168 = tpu.memref_slice %arg3[%add3A_95, %dma_wait3A_167] : memref<2560x128xi32, #tpu.memory_space<hbm>> -> memref<40x128xi32, #tpu.memory_space<hbm>>
      %dma_wait3A_169 = arith.constant 0 : i32
      %dma_wait3A_170 = tpu.memref_slice %arg3[%add3A_95, %dma_wait3A_169] : memref<2560x128xi32, #tpu.memory_space<hbm>> -> memref<40x128xi32, #tpu.memory_space<hbm>>
      tpu.wait_dma2 semaphore(%run_scoped3A : memref<!tpu.dma_semaphore, #tpu.memory_space<semaphore_mem>>) src(%dma_wait3A_170 : memref<40x128xi32, #tpu.memory_space<hbm>>) dst(%arg7 : memref<40x128xi32, #tpu.memory_space<vmem>>)
      tpu.yield
    }) : () -> ()
    "tpu.region"() ({
      %run_scoped3A = tpu.sem_alloc : memref<!tpu.dma_semaphore, #tpu.memory_space<semaphore_mem>>
      %dma_start3A_163 = arith.constant 0 : i32
      %dma_start3A_164 = tpu.memref_slice %arg4[%add3A_95, %dma_start3A_163] : memref<2560x128xi32, #tpu.memory_space<hbm>> -> memref<40x128xi32, #tpu.memory_space<hbm>>
      %dma_start3A_165 = arith.constant 0 : i32
      %dma_start3A_166 = tpu.memref_slice %arg4[%add3A_95, %dma_start3A_165] : memref<2560x128xi32, #tpu.memory_space<hbm>> -> memref<40x128xi32, #tpu.memory_space<hbm>>
      tpu.enqueue_dma source(%dma_start3A_166 : memref<40x128xi32, #tpu.memory_space<hbm>>) target(%arg8 : memref<40x128xi32, #tpu.memory_space<vmem>>) target_semaphore(%run_scoped3A : memref<!tpu.dma_semaphore, #tpu.memory_space<semaphore_mem>>)
      %dma_wait3A_167 = arith.constant 0 : i32
      %dma_wait3A_168 = tpu.memref_slice %arg4[%add3A_95, %dma_wait3A_167] : memref<2560x128xi32, #tpu.memory_space<hbm>> -> memref<40x128xi32, #tpu.memory_space<hbm>>
      %dma_wait3A_169 = arith.constant 0 : i32
      %dma_wait3A_170 = tpu.memref_slice %arg4[%add3A_95, %dma_wait3A_169] : memref<2560x128xi32, #tpu.memory_space<hbm>> -> memref<40x128xi32, #tpu.memory_space<hbm>>
      tpu.wait_dma2 semaphore(%run_scoped3A : memref<!tpu.dma_semaphore, #tpu.memory_space<semaphore_mem>>) src(%dma_wait3A_170 : memref<40x128xi32, #tpu.memory_space<hbm>>) dst(%arg8 : memref<40x128xi32, #tpu.memory_space<vmem>>)
      tpu.yield
    }) : () -> ()
    %dma_start3A_96 = arith.constant 0 : i32
    %dma_start3A_97 = arith.constant 0 : i32
    %dma_start3A_98 = tpu.memref_slice %arg7[%dma_start3A_96, %dma_start3A_97] : memref<40x128xi32, #tpu.memory_space<vmem>> -> memref<1x128xi32, #tpu.memory_space<vmem>>
    %dma_start3A_99 = tpu.memref_squeeze %dma_start3A_98 : memref<1x128xi32, #tpu.memory_space<vmem>> -> memref<128xi32, #tpu.memory_space<vmem>>
    %dma_start3A_100 = arith.constant 0 : i32
    %dma_start3A_101 = arith.constant 0 : i32
    %dma_start3A_102 = tpu.memref_slice %arg2[%dma_start3A_100, %dma_start3A_101] : memref<10000x128xf32, #tpu.memory_space<hbm>> -> memref<10000x128xf32, #tpu.memory_space<hbm>>
    tpu.enqueue_indirect_dma source(%dma_start3A_102 : memref<10000x128xf32, #tpu.memory_space<hbm>>) target(%arg9 : memref<128x128xf32, #tpu.memory_space<vmem>>) offsets(%dma_start3A_99 : memref<128xi32, #tpu.memory_space<vmem>>) semaphore(%arg12 : memref<!tpu.dma_semaphore, #tpu.memory_space<semaphore_mem>>)
    %dma_start3A_103 = arith.constant 1 : i32
    %dma_start3A_104 = arith.constant 0 : i32
    %dma_start3A_105 = tpu.memref_slice %arg7[%dma_start3A_103, %dma_start3A_104] : memref<40x128xi32, #tpu.memory_space<vmem>> -> memref<1x128xi32, #tpu.memory_space<vmem>>
    %dma_start3A_106 = tpu.memref_squeeze %dma_start3A_105 : memref<1x128xi32, #tpu.memory_space<vmem>> -> memref<128xi32, #tpu.memory_space<vmem>>
    %dma_start3A_107 = arith.constant 0 : i32
    %dma_start3A_108 = arith.constant 0 : i32
    %dma_start3A_109 = tpu.memref_slice %arg2[%dma_start3A_107, %dma_start3A_108] : memref<10000x128xf32, #tpu.memory_space<hbm>> -> memref<10000x128xf32, #tpu.memory_space<hbm>>
    tpu.enqueue_indirect_dma source(%dma_start3A_109 : memref<10000x128xf32, #tpu.memory_space<hbm>>) target(%arg10 : memref<128x128xf32, #tpu.memory_space<vmem>>) offsets(%dma_start3A_106 : memref<128xi32, #tpu.memory_space<vmem>>) semaphore(%arg13 : memref<!tpu.dma_semaphore, #tpu.memory_space<semaphore_mem>>)
    %dma_wait3A_110 = arith.constant 0 : i32
    %dma_wait3A_111 = arith.constant 0 : i32
    %dma_wait3A_112 = tpu.memref_slice %arg7[%dma_wait3A_110, %dma_wait3A_111] : memref<40x128xi32, #tpu.memory_space<vmem>> -> memref<1x128xi32, #tpu.memory_space<vmem>>
    %dma_wait3A_113 = tpu.memref_squeeze %dma_wait3A_112 : memref<1x128xi32, #tpu.memory_space<vmem>> -> memref<128xi32, #tpu.memory_space<vmem>>
    %dma_wait3A_114 = arith.constant 0 : i32
    %dma_wait3A_115 = arith.constant 0 : i32
    %dma_wait3A_116 = tpu.memref_slice %arg2[%dma_wait3A_114, %dma_wait3A_115] : memref<10000x128xf32, #tpu.memory_space<hbm>> -> memref<10000x128xf32, #tpu.memory_space<hbm>>
    tpu.wait_indirect_dma semaphore(%arg12 : memref<!tpu.dma_semaphore, #tpu.memory_space<semaphore_mem>>) src(%dma_wait3A_116 : memref<10000x128xf32, #tpu.memory_space<hbm>>) dst(%arg9 : memref<128x128xf32, #tpu.memory_space<vmem>>)
    %dma_start3A_117 = arith.constant 0 : i32
    %dma_start3A_118 = arith.constant 0 : i32
    %dma_start3A_119 = tpu.memref_slice %arg8[%dma_start3A_117, %dma_start3A_118] : memref<40x128xi32, #tpu.memory_space<vmem>> -> memref<1x128xi32, #tpu.memory_space<vmem>>
    %dma_start3A_120 = tpu.memref_squeeze %dma_start3A_119 : memref<1x128xi32, #tpu.memory_space<vmem>> -> memref<128xi32, #tpu.memory_space<vmem>>
    %dma_start3A_121 = arith.constant 0 : i32
    %dma_start3A_122 = arith.constant 0 : i32
    %dma_start3A_123 = tpu.memref_slice %arg11[%dma_start3A_121, %dma_start3A_122] : memref<10240x128xf32, #tpu.memory_space<vmem_shared>> -> memref<10240x128xf32, #tpu.memory_space<vmem_shared>>
    tpu.enqueue_indirect_dma source(%arg9 : memref<128x128xf32, #tpu.memory_space<vmem>>) target(%dma_start3A_123 : memref<10240x128xf32, #tpu.memory_space<vmem_shared>>) offsets(%dma_start3A_120 : memref<128xi32, #tpu.memory_space<vmem>>) semaphore(%arg14 : memref<!tpu.dma_semaphore, #tpu.memory_space<semaphore_mem>>) {add = true}
    %scan3A_124 = arith.constant 0 : i32
    %scan3A_125 = arith.constant 0 : i32
    %scan3A_126 = arith.constant 19 : i32
    %scan3A_127 = arith.addi %scan3A_125, %scan3A_126 : i32
    %scan3A_128 = arith.constant 1 : i32
    scf.for %scan3A_163 = %scan3A_125 to %scan3A_127 step %scan3A_128  : i32 {
      %mul3A_164 = arith.constant 2 : i32
      %mul3A_165 = arith.muli %scan3A_163, %mul3A_164 : i32
      %add3A_166 = arith.constant 1 : i32
      %add3A_167 = arith.addi %add3A_166, %mul3A_165 : i32
      %add3A_168 = arith.constant 0 : i32
      %add3A_169 = arith.addi %add3A_167, %add3A_168 : i32
      %sub3A = arith.constant 1 : i32
      %sub3A_170 = arith.subi %add3A_169, %sub3A : i32
      %dma_wait3A_171 = arith.constant 0 : i32
      %dma_wait3A_172 = tpu.memref_slice %arg8[%sub3A_170, %dma_wait3A_171] : memref<40x128xi32, #tpu.memory_space<vmem>> -> memref<1x128xi32, #tpu.memory_space<vmem>>
      %dma_wait3A_173 = tpu.memref_squeeze %dma_wait3A_172 : memref<1x128xi32, #tpu.memory_space<vmem>> -> memref<128xi32, #tpu.memory_space<vmem>>
      %dma_wait3A_174 = arith.constant 0 : i32
      %dma_wait3A_175 = arith.constant 0 : i32
      %dma_wait3A_176 = tpu.memref_slice %arg11[%dma_wait3A_174, %dma_wait3A_175] : memref<10240x128xf32, #tpu.memory_space<vmem_shared>> -> memref<10240x128xf32, #tpu.memory_space<vmem_shared>>
      tpu.wait_indirect_dma semaphore(%arg14 : memref<!tpu.dma_semaphore, #tpu.memory_space<semaphore_mem>>) src(%arg9 : memref<128x128xf32, #tpu.memory_space<vmem>>) dst(%dma_wait3A_176 : memref<10240x128xf32, #tpu.memory_space<vmem_shared>>)
      %add3A_177 = arith.constant 1 : i32
      %add3A_178 = arith.addi %add3A_169, %add3A_177 : i32
      %dma_start3A_179 = arith.constant 0 : i32
      %dma_start3A_180 = tpu.memref_slice %arg7[%add3A_178, %dma_start3A_179] : memref<40x128xi32, #tpu.memory_space<vmem>> -> memref<1x128xi32, #tpu.memory_space<vmem>>
      %dma_start3A_181 = tpu.memref_squeeze %dma_start3A_180 : memref<1x128xi32, #tpu.memory_space<vmem>> -> memref<128xi32, #tpu.memory_space<vmem>>
      %dma_start3A_182 = arith.constant 0 : i32
      %dma_start3A_183 = arith.constant 0 : i32
      %dma_start3A_184 = tpu.memref_slice %arg2[%dma_start3A_182, %dma_start3A_183] : memref<10000x128xf32, #tpu.memory_space<hbm>> -> memref<10000x128xf32, #tpu.memory_space<hbm>>
      tpu.enqueue_indirect_dma source(%dma_start3A_184 : memref<10000x128xf32, #tpu.memory_space<hbm>>) target(%arg9 : memref<128x128xf32, #tpu.memory_space<vmem>>) offsets(%dma_start3A_181 : memref<128xi32, #tpu.memory_space<vmem>>) semaphore(%arg12 : memref<!tpu.dma_semaphore, #tpu.memory_space<semaphore_mem>>)
      %dma_wait3A_185 = arith.constant 0 : i32
      %dma_wait3A_186 = tpu.memref_slice %arg7[%add3A_169, %dma_wait3A_185] : memref<40x128xi32, #tpu.memory_space<vmem>> -> memref<1x128xi32, #tpu.memory_space<vmem>>
      %dma_wait3A_187 = tpu.memref_squeeze %dma_wait3A_186 : memref<1x128xi32, #tpu.memory_space<vmem>> -> memref<128xi32, #tpu.memory_space<vmem>>
      %dma_wait3A_188 = arith.constant 0 : i32
      %dma_wait3A_189 = arith.constant 0 : i32
      %dma_wait3A_190 = tpu.memref_slice %arg2[%dma_wait3A_188, %dma_wait3A_189] : memref<10000x128xf32, #tpu.memory_space<hbm>> -> memref<10000x128xf32, #tpu.memory_space<hbm>>
      tpu.wait_indirect_dma semaphore(%arg13 : memref<!tpu.dma_semaphore, #tpu.memory_space<semaphore_mem>>) src(%dma_wait3A_190 : memref<10000x128xf32, #tpu.memory_space<hbm>>) dst(%arg10 : memref<128x128xf32, #tpu.memory_space<vmem>>)
      %dma_start3A_191 = arith.constant 0 : i32
      %dma_start3A_192 = tpu.memref_slice %arg8[%add3A_169, %dma_start3A_191] : memref<40x128xi32, #tpu.memory_space<vmem>> -> memref<1x128xi32, #tpu.memory_space<vmem>>
      %dma_start3A_193 = tpu.memref_squeeze %dma_start3A_192 : memref<1x128xi32, #tpu.memory_space<vmem>> -> memref<128xi32, #tpu.memory_space<vmem>>
      %dma_start3A_194 = arith.constant 0 : i32
      %dma_start3A_195 = arith.constant 0 : i32
      %dma_start3A_196 = tpu.memref_slice %arg11[%dma_start3A_194, %dma_start3A_195] : memref<10240x128xf32, #tpu.memory_space<vmem_shared>> -> memref<10240x128xf32, #tpu.memory_space<vmem_shared>>
      tpu.enqueue_indirect_dma source(%arg10 : memref<128x128xf32, #tpu.memory_space<vmem>>) target(%dma_start3A_196 : memref<10240x128xf32, #tpu.memory_space<vmem_shared>>) offsets(%dma_start3A_193 : memref<128xi32, #tpu.memory_space<vmem>>) semaphore(%arg15 : memref<!tpu.dma_semaphore, #tpu.memory_space<semaphore_mem>>) {add = true}
      %mul3A_197 = arith.constant 2 : i32
      %mul3A_198 = arith.muli %scan3A_163, %mul3A_197 : i32
      %add3A_199 = arith.constant 1 : i32
      %add3A_200 = arith.addi %add3A_199, %mul3A_198 : i32
      %add3A_201 = arith.constant 1 : i32
      %add3A_202 = arith.addi %add3A_200, %add3A_201 : i32
      %sub3A_203 = arith.constant 1 : i32
      %sub3A_204 = arith.subi %add3A_202, %sub3A_203 : i32
      %dma_wait3A_205 = arith.constant 0 : i32
      %dma_wait3A_206 = tpu.memref_slice %arg8[%sub3A_204, %dma_wait3A_205] : memref<40x128xi32, #tpu.memory_space<vmem>> -> memref<1x128xi32, #tpu.memory_space<vmem>>
      %dma_wait3A_207 = tpu.memref_squeeze %dma_wait3A_206 : memref<1x128xi32, #tpu.memory_space<vmem>> -> memref<128xi32, #tpu.memory_space<vmem>>
      %dma_wait3A_208 = arith.constant 0 : i32
      %dma_wait3A_209 = arith.constant 0 : i32
      %dma_wait3A_210 = tpu.memref_slice %arg11[%dma_wait3A_208, %dma_wait3A_209] : memref<10240x128xf32, #tpu.memory_space<vmem_shared>> -> memref<10240x128xf32, #tpu.memory_space<vmem_shared>>
      tpu.wait_indirect_dma semaphore(%arg15 : memref<!tpu.dma_semaphore, #tpu.memory_space<semaphore_mem>>) src(%arg10 : memref<128x128xf32, #tpu.memory_space<vmem>>) dst(%dma_wait3A_210 : memref<10240x128xf32, #tpu.memory_space<vmem_shared>>)
      %add3A_211 = arith.constant 1 : i32
      %add3A_212 = arith.addi %add3A_202, %add3A_211 : i32
      %dma_start3A_213 = arith.constant 0 : i32
      %dma_start3A_214 = tpu.memref_slice %arg7[%add3A_212, %dma_start3A_213] : memref<40x128xi32, #tpu.memory_space<vmem>> -> memref<1x128xi32, #tpu.memory_space<vmem>>
      %dma_start3A_215 = tpu.memref_squeeze %dma_start3A_214 : memref<1x128xi32, #tpu.memory_space<vmem>> -> memref<128xi32, #tpu.memory_space<vmem>>
      %dma_start3A_216 = arith.constant 0 : i32
      %dma_start3A_217 = arith.constant 0 : i32
      %dma_start3A_218 = tpu.memref_slice %arg2[%dma_start3A_216, %dma_start3A_217] : memref<10000x128xf32, #tpu.memory_space<hbm>> -> memref<10000x128xf32, #tpu.memory_space<hbm>>
      tpu.enqueue_indirect_dma source(%dma_start3A_218 : memref<10000x128xf32, #tpu.memory_space<hbm>>) target(%arg10 : memref<128x128xf32, #tpu.memory_space<vmem>>) offsets(%dma_start3A_215 : memref<128xi32, #tpu.memory_space<vmem>>) semaphore(%arg13 : memref<!tpu.dma_semaphore, #tpu.memory_space<semaphore_mem>>)
      %dma_wait3A_219 = arith.constant 0 : i32
      %dma_wait3A_220 = tpu.memref_slice %arg7[%add3A_202, %dma_wait3A_219] : memref<40x128xi32, #tpu.memory_space<vmem>> -> memref<1x128xi32, #tpu.memory_space<vmem>>
      %dma_wait3A_221 = tpu.memref_squeeze %dma_wait3A_220 : memref<1x128xi32, #tpu.memory_space<vmem>> -> memref<128xi32, #tpu.memory_space<vmem>>
      %dma_wait3A_222 = arith.constant 0 : i32
      %dma_wait3A_223 = arith.constant 0 : i32
      %dma_wait3A_224 = tpu.memref_slice %arg2[%dma_wait3A_222, %dma_wait3A_223] : memref<10000x128xf32, #tpu.memory_space<hbm>> -> memref<10000x128xf32, #tpu.memory_space<hbm>>
      tpu.wait_indirect_dma semaphore(%arg12 : memref<!tpu.dma_semaphore, #tpu.memory_space<semaphore_mem>>) src(%dma_wait3A_224 : memref<10000x128xf32, #tpu.memory_space<hbm>>) dst(%arg9 : memref<128x128xf32, #tpu.memory_space<vmem>>)
      %dma_start3A_225 = arith.constant 0 : i32
      %dma_start3A_226 = tpu.memref_slice %arg8[%add3A_202, %dma_start3A_225] : memref<40x128xi32, #tpu.memory_space<vmem>> -> memref<1x128xi32, #tpu.memory_space<vmem>>
      %dma_start3A_227 = tpu.memref_squeeze %dma_start3A_226 : memref<1x128xi32, #tpu.memory_space<vmem>> -> memref<128xi32, #tpu.memory_space<vmem>>
      %dma_start3A_228 = arith.constant 0 : i32
      %dma_start3A_229 = arith.constant 0 : i32
      %dma_start3A_230 = tpu.memref_slice %arg11[%dma_start3A_228, %dma_start3A_229] : memref<10240x128xf32, #tpu.memory_space<vmem_shared>> -> memref<10240x128xf32, #tpu.memory_space<vmem_shared>>
      tpu.enqueue_indirect_dma source(%arg9 : memref<128x128xf32, #tpu.memory_space<vmem>>) target(%dma_start3A_230 : memref<10240x128xf32, #tpu.memory_space<vmem_shared>>) offsets(%dma_start3A_227 : memref<128xi32, #tpu.memory_space<vmem>>) semaphore(%arg14 : memref<!tpu.dma_semaphore, #tpu.memory_space<semaphore_mem>>) {add = true}
    }
    %scan3A_129 = arith.constant 19 : i32
    %dma_wait3A_130 = arith.constant 38 : i32
    %dma_wait3A_131 = arith.constant 0 : i32
    %dma_wait3A_132 = tpu.memref_slice %arg8[%dma_wait3A_130, %dma_wait3A_131] : memref<40x128xi32, #tpu.memory_space<vmem>> -> memref<1x128xi32, #tpu.memory_space<vmem>>
    %dma_wait3A_133 = tpu.memref_squeeze %dma_wait3A_132 : memref<1x128xi32, #tpu.memory_space<vmem>> -> memref<128xi32, #tpu.memory_space<vmem>>
    %dma_wait3A_134 = arith.constant 0 : i32
    %dma_wait3A_135 = arith.constant 0 : i32
    %dma_wait3A_136 = tpu.memref_slice %arg11[%dma_wait3A_134, %dma_wait3A_135] : memref<10240x128xf32, #tpu.memory_space<vmem_shared>> -> memref<10240x128xf32, #tpu.memory_space<vmem_shared>>
    tpu.wait_indirect_dma semaphore(%arg14 : memref<!tpu.dma_semaphore, #tpu.memory_space<semaphore_mem>>) src(%arg9 : memref<128x128xf32, #tpu.memory_space<vmem>>) dst(%dma_wait3A_136 : memref<10240x128xf32, #tpu.memory_space<vmem_shared>>)
    %dma_wait3A_137 = arith.constant 39 : i32
    %dma_wait3A_138 = arith.constant 0 : i32
    %dma_wait3A_139 = tpu.memref_slice %arg7[%dma_wait3A_137, %dma_wait3A_138] : memref<40x128xi32, #tpu.memory_space<vmem>> -> memref<1x128xi32, #tpu.memory_space<vmem>>
    %dma_wait3A_140 = tpu.memref_squeeze %dma_wait3A_139 : memref<1x128xi32, #tpu.memory_space<vmem>> -> memref<128xi32, #tpu.memory_space<vmem>>
    %dma_wait3A_141 = arith.constant 0 : i32
    %dma_wait3A_142 = arith.constant 0 : i32
    %dma_wait3A_143 = tpu.memref_slice %arg2[%dma_wait3A_141, %dma_wait3A_142] : memref<10000x128xf32, #tpu.memory_space<hbm>> -> memref<10000x128xf32, #tpu.memory_space<hbm>>
    tpu.wait_indirect_dma semaphore(%arg13 : memref<!tpu.dma_semaphore, #tpu.memory_space<semaphore_mem>>) src(%dma_wait3A_143 : memref<10000x128xf32, #tpu.memory_space<hbm>>) dst(%arg10 : memref<128x128xf32, #tpu.memory_space<vmem>>)
    %dma_start3A_144 = arith.constant 39 : i32
    %dma_start3A_145 = arith.constant 0 : i32
    %dma_start3A_146 = tpu.memref_slice %arg8[%dma_start3A_144, %dma_start3A_145] : memref<40x128xi32, #tpu.memory_space<vmem>> -> memref<1x128xi32, #tpu.memory_space<vmem>>
    %dma_start3A_147 = tpu.memref_squeeze %dma_start3A_146 : memref<1x128xi32, #tpu.memory_space<vmem>> -> memref<128xi32, #tpu.memory_space<vmem>>
    %dma_start3A_148 = arith.constant 0 : i32
    %dma_start3A_149 = arith.constant 0 : i32
    %dma_start3A_150 = tpu.memref_slice %arg11[%dma_start3A_148, %dma_start3A_149] : memref<10240x128xf32, #tpu.memory_space<vmem_shared>> -> memref<10240x128xf32, #tpu.memory_space<vmem_shared>>
    tpu.enqueue_indirect_dma source(%arg10 : memref<128x128xf32, #tpu.memory_space<vmem>>) target(%dma_start3A_150 : memref<10240x128xf32, #tpu.memory_space<vmem_shared>>) offsets(%dma_start3A_147 : memref<128xi32, #tpu.memory_space<vmem>>) semaphore(%arg15 : memref<!tpu.dma_semaphore, #tpu.memory_space<semaphore_mem>>) {add = true}
    %dma_wait3A_151 = arith.constant 39 : i32
    %dma_wait3A_152 = arith.constant 0 : i32
    %dma_wait3A_153 = tpu.memref_slice %arg8[%dma_wait3A_151, %dma_wait3A_152] : memref<40x128xi32, #tpu.memory_space<vmem>> -> memref<1x128xi32, #tpu.memory_space<vmem>>
    %dma_wait3A_154 = tpu.memref_squeeze %dma_wait3A_153 : memref<1x128xi32, #tpu.memory_space<vmem>> -> memref<128xi32, #tpu.memory_space<vmem>>
    %dma_wait3A_155 = arith.constant 0 : i32
    %dma_wait3A_156 = arith.constant 0 : i32
    %dma_wait3A_157 = tpu.memref_slice %arg11[%dma_wait3A_155, %dma_wait3A_156] : memref<10240x128xf32, #tpu.memory_space<vmem_shared>> -> memref<10240x128xf32, #tpu.memory_space<vmem_shared>>
    tpu.wait_indirect_dma semaphore(%arg15 : memref<!tpu.dma_semaphore, #tpu.memory_space<semaphore_mem>>) src(%arg10 : memref<128x128xf32, #tpu.memory_space<vmem>>) dst(%dma_wait3A_157 : memref<10240x128xf32, #tpu.memory_space<vmem_shared>>)
    %barrier3A_158 = arith.constant 0 : index
    tpu.barrier barrier_id(%barrier3A_158)
    %mul3A_159 = arith.constant 640 : i32
    %mul3A_160 = arith.muli %arg1, %mul3A_159 : i32
    %mul3A_161 = arith.constant 640 : i32
    %mul3A_162 = arith.muli %arg1, %mul3A_161 : i32
    "tpu.region"() ({
      %run_scoped3A = tpu.sem_alloc : memref<!tpu.dma_semaphore, #tpu.memory_space<semaphore_mem>>
      %dma_start3A_163 = arith.constant 0 : i32
      %dma_start3A_164 = tpu.memref_slice %arg6[%arg0, %mul3A_162, %dma_start3A_163] : memref<2x10240x128xf32, #tpu.memory_space<hbm>> -> memref<1x640x128xf32, #tpu.memory_space<hbm>>
      %dma_start3A_165 = tpu.memref_squeeze %dma_start3A_164 : memref<1x640x128xf32, #tpu.memory_space<hbm>> -> memref<640x128xf32, #tpu.memory_space<hbm>>
      %dma_start3A_166 = arith.constant 0 : i32
      %dma_start3A_167 = tpu.memref_slice %arg11[%mul3A_160, %dma_start3A_166] : memref<10240x128xf32, #tpu.memory_space<vmem_shared>> -> memref<640x128xf32, #tpu.memory_space<vmem_shared>>
      tpu.enqueue_dma source(%dma_start3A_167 : memref<640x128xf32, #tpu.memory_space<vmem_shared>>) target(%dma_start3A_165 : memref<640x128xf32, #tpu.memory_space<hbm>>) target_semaphore(%run_scoped3A : memref<!tpu.dma_semaphore, #tpu.memory_space<semaphore_mem>>)
      %dma_wait3A_168 = arith.constant 0 : i32
      %dma_wait3A_169 = tpu.memref_slice %arg6[%arg0, %mul3A_162, %dma_wait3A_168] : memref<2x10240x128xf32, #tpu.memory_space<hbm>> -> memref<1x640x128xf32, #tpu.memory_space<hbm>>
      %dma_wait3A_170 = tpu.memref_squeeze %dma_wait3A_169 : memref<1x640x128xf32, #tpu.memory_space<hbm>> -> memref<640x128xf32, #tpu.memory_space<hbm>>
      %dma_wait3A_171 = arith.constant 0 : i32
      %dma_wait3A_172 = tpu.memref_slice %arg11[%mul3A_160, %dma_wait3A_171] : memref<10240x128xf32, #tpu.memory_space<vmem_shared>> -> memref<640x128xf32, #tpu.memory_space<vmem_shared>>
      tpu.wait_dma2 semaphore(%run_scoped3A : memref<!tpu.dma_semaphore, #tpu.memory_space<semaphore_mem>>) src(%dma_wait3A_172 : memref<640x128xf32, #tpu.memory_space<vmem_shared>>) dst(%dma_wait3A_170 : memref<640x128xf32, #tpu.memory_space<hbm>>)
      tpu.yield
    }) : () -> ()
    return
  }
}

module attributes {stable_mosaic.version = 14 : i64} {
  func.func @_l1a_body(%arg0: i32, %arg1: memref<1000x128xf32, #tpu.memory_space<vmem>>, %arg2: memref<128x128xf32, #tpu.memory_space<vmem>>, %arg3: memref<1000x128xf32, #tpu.memory_space<vmem>>) attributes {dimension_semantics = [#tpu.dimension_semantics<arbitrary>], iteration_bounds = array<i64: 10>, scalar_prefetch = 0 : i64, scratch_operands = 0 : i64, tpu.core_type = #tpu.core_type<tc>, window_params = [{transform_indices = @transform_0, window_bounds = array<i64: 1000, 128>}, {pipeline_mode = #tpu.pipeline_mode<synchronous>, transform_indices = @transform_1, window_bounds = array<i64: 128, 128>}, {transform_indices = @transform_2, window_bounds = array<i64: 1000, 128>}]} {
    %get3A = arith.constant 0 : index
    %get3A_0 = arith.constant 0 : index
    %get3A_1 = vector.load %arg1[%get3A, %get3A_0] : memref<1000x128xf32, #tpu.memory_space<vmem>>, vector<1000x128xf32>
    %get3A_2 = arith.constant 0 : index
    %get3A_3 = arith.constant 0 : index
    %get3A_4 = vector.load %arg2[%get3A_2, %get3A_3] : memref<128x128xf32, #tpu.memory_space<vmem>>, vector<128x128xf32>
    %dot_general3A = arith.constant dense<0.000000e+00> : vector<1000x128xf32>
    %dot_general3A_5 = tpu.matmul %get3A_1, %get3A_4, %dot_general3A {dimension_numbers = #tpu.dot_dimension_numbers<[1], [0], [0], [1], [0, 0, 1, 1], [], []>, transpose_lhs_hint = false} : vector<1000x128xf32>, vector<128x128xf32>, vector<1000x128xf32> -> vector<1000x128xf32>
    %swap3A = arith.constant 0 : index
    %swap3A_6 = arith.constant 0 : index
    %swap3A_7 = vector.load %arg3[%swap3A, %swap3A_6] : memref<1000x128xf32, #tpu.memory_space<vmem>>, vector<1000x128xf32>
    tpu.vector_store %arg3[%swap3A, %swap3A_6], %dot_general3A_5 {strides = array<i32>} : memref<1000x128xf32, #tpu.memory_space<vmem>>, vector<1000x128xf32>,
    return
  }
  func.func @transform_0(%arg0: i32) -> (i32, i32) {
    %c0_i32 = arith.constant 0 : i32
    %c0_i32_0 = arith.constant 0 : i32
    return %arg0, %c0_i32 : i32, i32
  }
  func.func @transform_1(%arg0: i32) -> (i32, i32) {
    %c0_i32 = arith.constant 0 : i32
    %c0_i32_0 = arith.constant 0 : i32
    %c0_i32_1 = arith.constant 0 : i32
    return %c0_i32, %c0_i32_0 : i32, i32
  }
  func.func @transform_2(%arg0: i32) -> (i32, i32) {
    %c0_i32 = arith.constant 0 : i32
    %c0_i32_0 = arith.constant 0 : i32
    return %arg0, %c0_i32 : i32, i32
  }
}

module attributes {stable_mosaic.version = 14 : i64} {
  func.func @_l1b_body(%arg0: i32, %arg1: memref<1000x128xf32, #tpu.memory_space<vmem>>, %arg2: memref<1000x1xf32, #tpu.memory_space<vmem>>, %arg3: memref<1000x1xf32, #tpu.memory_space<vmem>>, %arg4: memref<1000x128xf32, #tpu.memory_space<vmem>>, %arg5: memref<1000x1xf32, #tpu.memory_space<vmem>>) attributes {dimension_semantics = [#tpu.dimension_semantics<arbitrary>], iteration_bounds = array<i64: 10>, scalar_prefetch = 0 : i64, scratch_operands = 0 : i64, tpu.core_type = #tpu.core_type<tc>, window_params = [{transform_indices = @transform_0, window_bounds = array<i64: 1000, 128>}, {transform_indices = @transform_1, window_bounds = array<i64: 1000, 1>}, {transform_indices = @transform_2, window_bounds = array<i64: 1000, 1>}, {transform_indices = @transform_3, window_bounds = array<i64: 1000, 128>}, {transform_indices = @transform_4, window_bounds = array<i64: 1000, 1>}]} {
    %get3A = arith.constant 0 : index
    %get3A_0 = arith.constant 0 : index
    %get3A_1 = vector.load %arg2[%get3A, %get3A_0] : memref<1000x1xf32, #tpu.memory_space<vmem>>, vector<1000x1xf32>
    %get3A_2 = arith.constant 0 : index
    %get3A_3 = arith.constant 0 : index
    %get3A_4 = vector.load %arg3[%get3A_2, %get3A_3] : memref<1000x1xf32, #tpu.memory_space<vmem>>, vector<1000x1xf32>
    %add3A = arith.addf %get3A_1, %get3A_4 : vector<1000x1xf32>
    %add3A_5 = arith.constant 1.000000e+00 : f32
    %add3A_6 = vector.broadcast %add3A_5 : f32 to vector<1000x1xf32>
    %add3A_7 = arith.addf %add3A, %add3A_6 : vector<1000x1xf32>
    %rsqrt3A = math.rsqrt %add3A_7 : vector<1000x1xf32>
    %get3A_8 = arith.constant 0 : index
    %get3A_9 = arith.constant 0 : index
    %get3A_10 = vector.load %arg1[%get3A_8, %get3A_9] : memref<1000x128xf32, #tpu.memory_space<vmem>>, vector<1000x128xf32>
    %mul3A = vector.broadcast %rsqrt3A : vector<1000x1xf32> to vector<1000x128xf32>
    %mul3A_11 = arith.mulf %get3A_10, %mul3A : vector<1000x128xf32>
    %swap3A = arith.constant 0 : index
    %swap3A_12 = arith.constant 0 : index
    %swap3A_13 = vector.load %arg4[%swap3A, %swap3A_12] : memref<1000x128xf32, #tpu.memory_space<vmem>>, vector<1000x128xf32>
    tpu.vector_store %arg4[%swap3A, %swap3A_12], %mul3A_11 {strides = array<i32>} : memref<1000x128xf32, #tpu.memory_space<vmem>>, vector<1000x128xf32>,
    %swap3A_14 = arith.constant 0 : index
    %swap3A_15 = arith.constant 0 : index
    %swap3A_16 = vector.load %arg5[%swap3A_14, %swap3A_15] : memref<1000x1xf32, #tpu.memory_space<vmem>>, vector<1000x1xf32>
    tpu.vector_store %arg5[%swap3A_14, %swap3A_15], %rsqrt3A {strides = array<i32>} : memref<1000x1xf32, #tpu.memory_space<vmem>>, vector<1000x1xf32>,
    return
  }
  func.func @transform_0(%arg0: i32) -> (i32, i32) {
    %c0_i32 = arith.constant 0 : i32
    %c0_i32_0 = arith.constant 0 : i32
    return %arg0, %c0_i32 : i32, i32
  }
  func.func @transform_1(%arg0: i32) -> (i32, i32) {
    %c0_i32 = arith.constant 0 : i32
    %c0_i32_0 = arith.constant 0 : i32
    return %arg0, %c0_i32 : i32, i32
  }
  func.func @transform_2(%arg0: i32) -> (i32, i32) {
    %c0_i32 = arith.constant 0 : i32
    %c0_i32_0 = arith.constant 0 : i32
    return %arg0, %c0_i32 : i32, i32
  }
  func.func @transform_3(%arg0: i32) -> (i32, i32) {
    %c0_i32 = arith.constant 0 : i32
    %c0_i32_0 = arith.constant 0 : i32
    return %arg0, %c0_i32 : i32, i32
  }
  func.func @transform_4(%arg0: i32) -> (i32, i32) {
    %c0_i32 = arith.constant 0 : i32
    %c0_i32_0 = arith.constant 0 : i32
    return %arg0, %c0_i32 : i32, i32
  }
}

module attributes {stable_mosaic.version = 14 : i64} {
  func.func @_l2_body(%arg0: i32, %arg1: memref<2x1000x128xf32, #tpu.memory_space<vmem>>, %arg2: memref<1000x128xf32, #tpu.memory_space<vmem>>, %arg3: memref<1000x1xf32, #tpu.memory_space<vmem>>, %arg4: memref<1x128xf32, #tpu.memory_space<vmem>>, %arg5: memref<128x128xf32, #tpu.memory_space<vmem>>, %arg6: memref<1000x128xf32, #tpu.memory_space<vmem>>) attributes {dimension_semantics = [#tpu.dimension_semantics<arbitrary>], iteration_bounds = array<i64: 10>, scalar_prefetch = 0 : i64, scratch_operands = 0 : i64, tpu.core_type = #tpu.core_type<tc>, window_params = [{transform_indices = @transform_0, window_bounds = array<i64: 2, 1000, 128>}, {transform_indices = @transform_1, window_bounds = array<i64: 1000, 128>}, {transform_indices = @transform_2, window_bounds = array<i64: 1000, 1>}, {pipeline_mode = #tpu.pipeline_mode<synchronous>, transform_indices = @transform_3, window_bounds = array<i64: 1, 128>}, {pipeline_mode = #tpu.pipeline_mode<synchronous>, transform_indices = @transform_4, window_bounds = array<i64: 128, 128>}, {transform_indices = @transform_5, window_bounds = array<i64: 1000, 128>}]} {
    %get3A = arith.constant 0 : index
    %get3A_0 = arith.constant 0 : index
    %get3A_1 = vector.load %arg3[%get3A, %get3A_0] : memref<1000x1xf32, #tpu.memory_space<vmem>>, vector<1000x1xf32>
    %get3A_2 = arith.constant 0 : index
    %get3A_3 = arith.constant 0 : index
    %get3A_4 = arith.constant 0 : index
    %get3A_5 = vector.load %arg1[%get3A_2, %get3A_3, %get3A_4] : memref<2x1000x128xf32, #tpu.memory_space<vmem>>, vector<1x1000x128xf32>
    %get3A_6 = vector.shape_cast %get3A_5 : vector<1x1000x128xf32> to vector<1000x128xf32>
    %get3A_7 = arith.constant 1 : index
    %get3A_8 = arith.constant 0 : index
    %get3A_9 = arith.constant 0 : index
    %get3A_10 = vector.load %arg1[%get3A_7, %get3A_8, %get3A_9] : memref<2x1000x128xf32, #tpu.memory_space<vmem>>, vector<1x1000x128xf32>
    %get3A_11 = vector.shape_cast %get3A_10 : vector<1x1000x128xf32> to vector<1000x128xf32>
    %add3A = arith.addf %get3A_6, %get3A_11 : vector<1000x128xf32>
    %get3A_12 = arith.constant 0 : index
    %get3A_13 = arith.constant 0 : index
    %get3A_14 = vector.load %arg2[%get3A_12, %get3A_13] : memref<1000x128xf32, #tpu.memory_space<vmem>>, vector<1000x128xf32>
    %add3A_15 = arith.addf %add3A, %get3A_14 : vector<1000x128xf32>
    %mul3A = vector.broadcast %get3A_1 : vector<1000x1xf32> to vector<1000x128xf32>
    %mul3A_16 = arith.mulf %mul3A, %add3A_15 : vector<1000x128xf32>
    %get3A_17 = arith.constant 0 : index
    %get3A_18 = arith.constant 0 : index
    %get3A_19 = vector.load %arg4[%get3A_17, %get3A_18] : memref<1x128xf32, #tpu.memory_space<vmem>>, vector<1x128xf32>
    %add3A_20 = vector.broadcast %get3A_19 : vector<1x128xf32> to vector<1000x128xf32>
    %add3A_21 = arith.addf %mul3A_16, %add3A_20 : vector<1000x128xf32>
    %max3A = arith.constant 0.000000e+00 : f32
    %max3A_22 = vector.broadcast %max3A : f32 to vector<1000x128xf32>
    %max3A_23 = arith.maximumf %add3A_21, %max3A_22 : vector<1000x128xf32>
    %get3A_24 = arith.constant 0 : index
    %get3A_25 = arith.constant 0 : index
    %get3A_26 = vector.load %arg5[%get3A_24, %get3A_25] : memref<128x128xf32, #tpu.memory_space<vmem>>, vector<128x128xf32>
    %dot_general3A = arith.constant dense<0.000000e+00> : vector<1000x128xf32>
    %dot_general3A_27 = tpu.matmul %max3A_23, %get3A_26, %dot_general3A {dimension_numbers = #tpu.dot_dimension_numbers<[1], [0], [0], [1], [0, 0, 1, 1], [], []>, transpose_lhs_hint = false} : vector<1000x128xf32>, vector<128x128xf32>, vector<1000x128xf32> -> vector<1000x128xf32>
    %mul3A_28 = vector.broadcast %get3A_1 : vector<1000x1xf32> to vector<1000x128xf32>
    %mul3A_29 = arith.mulf %dot_general3A_27, %mul3A_28 : vector<1000x128xf32>
    %swap3A = arith.constant 0 : index
    %swap3A_30 = arith.constant 0 : index
    %swap3A_31 = vector.load %arg6[%swap3A, %swap3A_30] : memref<1000x128xf32, #tpu.memory_space<vmem>>, vector<1000x128xf32>
    tpu.vector_store %arg6[%swap3A, %swap3A_30], %mul3A_29 {strides = array<i32>} : memref<1000x128xf32, #tpu.memory_space<vmem>>, vector<1000x128xf32>,
    return
  }
  func.func @transform_0(%arg0: i32) -> (i32, i32, i32) {
    %c0_i32 = arith.constant 0 : i32
    %c0_i32_0 = arith.constant 0 : i32
    %c0_i32_1 = arith.constant 0 : i32
    return %c0_i32, %arg0, %c0_i32_0 : i32, i32, i32
  }
  func.func @transform_1(%arg0: i32) -> (i32, i32) {
    %c0_i32 = arith.constant 0 : i32
    %c0_i32_0 = arith.constant 0 : i32
    return %arg0, %c0_i32 : i32, i32
  }
  func.func @transform_2(%arg0: i32) -> (i32, i32) {
    %c0_i32 = arith.constant 0 : i32
    %c0_i32_0 = arith.constant 0 : i32
    return %arg0, %c0_i32 : i32, i32
  }
  func.func @transform_3(%arg0: i32) -> (i32, i32) {
    %c0_i32 = arith.constant 0 : i32
    %c0_i32_0 = arith.constant 0 : i32
    %c0_i32_1 = arith.constant 0 : i32
    return %c0_i32, %c0_i32_0 : i32, i32
  }
  func.func @transform_4(%arg0: i32) -> (i32, i32) {
    %c0_i32 = arith.constant 0 : i32
    %c0_i32_0 = arith.constant 0 : i32
    %c0_i32_1 = arith.constant 0 : i32
    return %c0_i32, %c0_i32_0 : i32, i32
  }
  func.func @transform_5(%arg0: i32) -> (i32, i32) {
    %c0_i32 = arith.constant 0 : i32
    %c0_i32_0 = arith.constant 0 : i32
    return %arg0, %c0_i32 : i32, i32
  }
}

module attributes {stable_mosaic.version = 14 : i64} {
  func.func @_l3_body(%arg0: i32, %arg1: memref<2x1000x128xf32, #tpu.memory_space<vmem>>, %arg2: memref<1000x128xf32, #tpu.memory_space<vmem>>, %arg3: memref<1000x1xf32, #tpu.memory_space<vmem>>, %arg4: memref<1x128xf32, #tpu.memory_space<vmem>>, %arg5: memref<1000x128xf32, #tpu.memory_space<vmem>>) attributes {dimension_semantics = [#tpu.dimension_semantics<arbitrary>], iteration_bounds = array<i64: 10>, scalar_prefetch = 0 : i64, scratch_operands = 0 : i64, tpu.core_type = #tpu.core_type<tc>, window_params = [{transform_indices = @transform_0, window_bounds = array<i64: 2, 1000, 128>}, {transform_indices = @transform_1, window_bounds = array<i64: 1000, 128>}, {transform_indices = @transform_2, window_bounds = array<i64: 1000, 1>}, {pipeline_mode = #tpu.pipeline_mode<synchronous>, transform_indices = @transform_3, window_bounds = array<i64: 1, 128>}, {transform_indices = @transform_4, window_bounds = array<i64: 1000, 128>}]} {
    %get3A = arith.constant 0 : index
    %get3A_0 = arith.constant 0 : index
    %get3A_1 = vector.load %arg3[%get3A, %get3A_0] : memref<1000x1xf32, #tpu.memory_space<vmem>>, vector<1000x1xf32>
    %get3A_2 = arith.constant 0 : index
    %get3A_3 = arith.constant 0 : index
    %get3A_4 = arith.constant 0 : index
    %get3A_5 = vector.load %arg1[%get3A_2, %get3A_3, %get3A_4] : memref<2x1000x128xf32, #tpu.memory_space<vmem>>, vector<1x1000x128xf32>
    %get3A_6 = vector.shape_cast %get3A_5 : vector<1x1000x128xf32> to vector<1000x128xf32>
    %get3A_7 = arith.constant 1 : index
    %get3A_8 = arith.constant 0 : index
    %get3A_9 = arith.constant 0 : index
    %get3A_10 = vector.load %arg1[%get3A_7, %get3A_8, %get3A_9] : memref<2x1000x128xf32, #tpu.memory_space<vmem>>, vector<1x1000x128xf32>
    %get3A_11 = vector.shape_cast %get3A_10 : vector<1x1000x128xf32> to vector<1000x128xf32>
    %add3A = arith.addf %get3A_6, %get3A_11 : vector<1000x128xf32>
    %get3A_12 = arith.constant 0 : index
    %get3A_13 = arith.constant 0 : index
    %get3A_14 = vector.load %arg2[%get3A_12, %get3A_13] : memref<1000x128xf32, #tpu.memory_space<vmem>>, vector<1000x128xf32>
    %add3A_15 = arith.addf %add3A, %get3A_14 : vector<1000x128xf32>
    %mul3A = vector.broadcast %get3A_1 : vector<1000x1xf32> to vector<1000x128xf32>
    %mul3A_16 = arith.mulf %mul3A, %add3A_15 : vector<1000x128xf32>
    %get3A_17 = arith.constant 0 : index
    %get3A_18 = arith.constant 0 : index
    %get3A_19 = vector.load %arg4[%get3A_17, %get3A_18] : memref<1x128xf32, #tpu.memory_space<vmem>>, vector<1x128xf32>
    %add3A_20 = vector.broadcast %get3A_19 : vector<1x128xf32> to vector<1000x128xf32>
    %add3A_21 = arith.addf %mul3A_16, %add3A_20 : vector<1000x128xf32>
    %max3A = arith.constant 0.000000e+00 : f32
    %max3A_22 = vector.broadcast %max3A : f32 to vector<1000x128xf32>
    %max3A_23 = arith.maximumf %add3A_21, %max3A_22 : vector<1000x128xf32>
    %swap3A = arith.constant 0 : index
    %swap3A_24 = arith.constant 0 : index
    %swap3A_25 = vector.load %arg5[%swap3A, %swap3A_24] : memref<1000x128xf32, #tpu.memory_space<vmem>>, vector<1000x128xf32>
    tpu.vector_store %arg5[%swap3A, %swap3A_24], %max3A_23 {strides = array<i32>} : memref<1000x128xf32, #tpu.memory_space<vmem>>, vector<1000x128xf32>,
    return
  }
  func.func @transform_0(%arg0: i32) -> (i32, i32, i32) {
    %c0_i32 = arith.constant 0 : i32
    %c0_i32_0 = arith.constant 0 : i32
    %c0_i32_1 = arith.constant 0 : i32
    return %c0_i32, %arg0, %c0_i32_0 : i32, i32, i32
  }
  func.func @transform_1(%arg0: i32) -> (i32, i32) {
    %c0_i32 = arith.constant 0 : i32
    %c0_i32_0 = arith.constant 0 : i32
    return %arg0, %c0_i32 : i32, i32
  }
  func.func @transform_2(%arg0: i32) -> (i32, i32) {
    %c0_i32 = arith.constant 0 : i32
    %c0_i32_0 = arith.constant 0 : i32
    return %arg0, %c0_i32 : i32, i32
  }
  func.func @transform_3(%arg0: i32) -> (i32, i32) {
    %c0_i32 = arith.constant 0 : i32
    %c0_i32_0 = arith.constant 0 : i32
    %c0_i32_1 = arith.constant 0 : i32
    return %c0_i32, %c0_i32_0 : i32, i32
  }
  func.func @transform_4(%arg0: i32) -> (i32, i32) {
    %c0_i32 = arith.constant 0 : i32
    %c0_i32_0 = arith.constant 0 : i32
    return %arg0, %c0_i32 : i32, i32
  }
}

</mosaic_0001>

<sc_bundles>
// kernel: kernel.12.cloned.1.call-start
scs
__scs_entry_jumppad:
0x0: {  	(pc) =	sbr.rel $0x88, $3  }
0x1: {  	(tag) =	ssettag $0x0;
	lr =	simm.s32 $0x1  }
0x2: {  	[smem:$0x3F9B] =	sst lr;
	_ =	strace $0xD0000000  }
0x3: {  	_ = 	snop  }
0x4: {  	_ = 	snop  }
0x5: {  	_ = 	snop  }
0x6: {  	_ = 	snop  }
0x7: {  	_ = 	snop  }
__scs_overlays_trampoline_lowered:
0x8: {  	[smem:$0x3FAA] =	sst s0  }
0x9: {  	[smem:$0x3FAB] =	sst s1  }
0xa: {  	[smem:$0x3FAC] =	sst s2  }
0xb: {  	[smem:$0x3FAD] =	sst s3  }
0xc: {  	[smem:$0x3FAE] =	sst s4  }
0xd: {  	[smem:$0x3FAF] =	sst s5  }
0xe: {  	[smem:$0x3FB0] =	sst s6  }
0xf: {  	[smem:$0x3FB1] =	sst s7  }
0x10: {  	[smem:$0x3FB2] =	sst s8  }
0x11: {  	[smem:$0x3FB3] =	sst s9;
	s0 =	simm.s32 @!p0 $0x0  }
0x12: {  	s1 =	sld [smem:$0x3F99];
	s0 =	simm.s32 @p0 $0x1  }
0x13: {  	[smem:$0x3FB4] =	sst s0;
	s0 =	simm.s32 @!p1 $0x0  }
0x14: {  	s2 =	sld [smem:$0x3F98];
	s0 =	simm.s32 @p1 $0x1  }
0x15: {  	[smem:$0x3FB5] =	sst s0;
	s0 =	simm.s32 @!p2 $0x0  }
0x16: {  	s3 =	sld [smem:$0x3FDB];
	s0 =	simm.s32 @p2 $0x1  }
0x17: {  	s4 =	simm.s32 $0x1BF5;
	[smem:$0x3FB7] =	sst s0  }
0x18: {  	s0 =	sld [smem:$0x3F9A];
	_ =	swait.ge [sflag:s4], $0x0  }
0x19: {  	s7 =	sld [smem:$0x3F9B]  }
0x1a: {  	s8 =	sadd.s32 $0xFFFFE003, lr  }
0x1b: {  	s9 =	sadd.s32 $0xFFFFFEF7, lr;
	s5 =	simm.s32 $0xFFFFFFFF;
	p2 =	slt.u32 s8, $0xFFFFF086  }
0x1c: {  	p1 =	slt.u32 s9, $0xF7A;
	s5 =	simm.s32 @!p2 $0x0  }
0x1d: {  	s5 =	simm.s32 @p1 $0x1;
	p0 =	seq.s32 s7, s2  }
0x1e: {  	s7 =	smul.u32 @!p0 $0xF7A, s2;
	p2 =	seq.s32 @!p0 s5, $0x0  }
0x1f: {  	s9 =	smul.u32 $0xF7A, s1;
	s8 =	simm.s32 @!p0 $0x1BF5;
	p2 =	por !p2, p0  }
0x20: {  	[sflag:s8] =	ssyncset.s32 @!p0 $0xFFFFF086;
	s6 =	sadd.s32 @!p0 s3, s7;
	s7 =	simm.s32 @!p0 $0x108  }
0x21: {  	s3 =	sadd.s32 s3, s9;
	s6 =	sadd.s32 @!p0 $0x88, s6;
	s7 =	simm.s32 @p2 $0x1082  }
0x22: {  	[simem:s7], [sflag:s8] =	dma.local @!p0 [hbm:s6], $0xF7A  }
0x23: {  	s9 =	sor.u32 $0xD0000000, s2;
	s6 =	simm.s32 $0x108;
	_ =	swait.ge @!p0 [sflag:s8], $0x0  }
0x24: {  	s3 =	sadd.s32 $0x88, s3;
	s6 =	simm.s32 @!p1 $0x1082;
	[sflag:s4] =	ssyncset.s32 $0xFFFFF086  }
0x25: {  	[simem:s6], [sflag:s4] =	dma.local [hbm:s3], $0xF7A  }
0x26: {  	[smem:$0x3F9B] =	sst s1;
	(tag) =	ssettag s2;
	_ =	strace s9  }
0x27: {  	s1 =	sld [smem:$0x3FAB]  }
0x28: {  	s2 =	sld [smem:$0x3FAC]  }
0x29: {  	s4 =	sld [smem:$0x3FAE]  }
0x2a: {  	p0 =	seq.s32 s5, $0x0;
	s5 =	sld [smem:$0x3FAF]  }
0x2b: {  	s6 =	sld [smem:$0x3FB0]  }
0x2c: {  	s7 =	sld [smem:$0x3FB1]  }
0x2d: {  	s3 =	simm.s32 $0x108;
	s8 =	sld [smem:$0x3FB2]  }
0x2e: {  	s3 =	simm.s32 @!p0 $0x1082;
	s9 =	sld [smem:$0x3FB3]  }
0x2f: {  	lr =	sadd.s32 s0, s3;
	s0 =	sld [smem:$0x3FAA]  }
0x30: {  	s3 =	sld [smem:$0x3FAD]  }
0x31: {  	[smem:$0x3FB6] =	sst s10  }
0x32: {  	s10 =	sld [smem:$0x3FB4];
	_ =	sdelay $0x3  }
0x33: {  	p0 =	seq.s32 s10, $0x1;
	s10 =	sld [smem:$0x3FB6];
	_ =	sdelay $0x3  }
0x34: {  	[smem:$0x3FB6] =	sst s10  }
0x35: {  	s10 =	sld [smem:$0x3FB5];
	_ =	sdelay $0x3  }
0x36: {  	p1 =	seq.s32 s10, $0x1;
	s10 =	sld [smem:$0x3FB6];
	_ =	sdelay $0x3  }
0x37: {  	[smem:$0x3FB6] =	sst s10  }
0x38: {  	s10 =	sld [smem:$0x3FB7]  }
0x39: {  	_ = 	snop;
	(pc) =	sbr.ind lr, $3  }
0x3a: {  	_ = 	snop  }
0x3b: {  	_ = 	snop  }
0x3c: {  	p2 =	seq.s32 s10, $0x1;
	s10 =	sld [smem:$0x3FB6]  }
0x3d: {  	_ =	shalt  }
0x3e: {  	_ =	shalt  }
0x3f: {  	_ =	shalt  }
0x40: {  	_ =	shalt  }
0x41: {  	_ =	shalt  }
0x42: {  	_ =	shalt  }
0x43: {  	_ =	shalt  }
0x44: {  	_ =	shalt  }
0x45: {  	_ =	shalt  }
0x46: {  	_ =	shalt  }
0x47: {  	_ =	shalt  }
0x48: {  	_ =	shalt  }
0x49: {  	_ =	shalt  }
0x4a: {  	_ =	shalt  }
0x4b: {  	_ =	shalt  }
0x4c: {  	_ =	shalt  }
0x4d: {  	_ =	shalt  }
0x4e: {  	_ =	shalt  }
0x4f: {  	_ =	shalt  }
0x50: {  	_ =	shalt  }
0x51: {  	_ =	shalt  }
0x52: {  	_ =	shalt  }
0x53: {  	_ =	shalt  }
0x54: {  	_ =	shalt  }
0x55: {  	_ =	shalt  }
0x56: {  	_ =	shalt  }
0x57: {  	_ =	shalt  }
0x58: {  	_ =	shalt  }
0x59: {  	_ =	shalt  }
0x5a: {  	_ =	shalt  }
0x5b: {  	_ =	shalt  }
0x5c: {  	_ =	shalt  }
0x5d: {  	_ =	shalt  }
0x5e: {  	_ =	shalt  }
0x5f: {  	_ =	shalt  }
0x60: {  	_ =	shalt  }
0x61: {  	_ =	shalt  }
0x62: {  	_ =	shalt  }
0x63: {  	_ =	shalt  }
0x64: {  	_ =	shalt  }
0x65: {  	_ =	shalt  }
0x66: {  	_ =	shalt  }
0x67: {  	_ =	shalt  }
0x68: {  	_ =	shalt  }
0x69: {  	_ =	shalt  }
0x6a: {  	_ =	shalt  }
0x6b: {  	_ =	shalt  }
0x6c: {  	_ =	shalt  }
0x6d: {  	_ =	shalt  }
0x6e: {  	_ =	shalt  }
0x6f: {  	_ =	shalt  }
0x70: {  	_ =	shalt  }
0x71: {  	_ =	shalt  }
0x72: {  	_ =	shalt  }
0x73: {  	_ =	shalt  }
0x74: {  	_ =	shalt  }
0x75: {  	_ =	shalt  }
0x76: {  	_ =	shalt  }
0x77: {  	_ =	shalt  }
0x78: {  	_ =	shalt  }
0x79: {  	_ =	shalt  }
0x7a: {  	_ =	shalt  }
0x7b: {  	_ =	shalt  }
0x7c: {  	_ =	shalt  }
0x7d: {  	_ =	shalt  }
0x7e: {  	_ =	shalt  }
0x7f: {  	_ =	shalt  }
0x80: {  	_ =	shalt  }
0x81: {  	_ =	shalt  }
0x82: {  	_ =	shalt  }
0x83: {  	_ =	shalt  }
0x84: {  	_ =	shalt  }
0x85: {  	_ =	shalt  }
0x86: {  	_ =	shalt  }
0x87: {  	_ =	shalt  }
.Lfunc_end0:
.L_simem_size_0:
called_computation.1_lowered:
.L_overlay_start_0:
0x88: {  	s2 =	sld [smem:$0x3FD9]  }
0x89: {  	s3 =	sld [smem:$0x3FFE];
	_ =	sdelay $0x1  }
0x8a: {  	s1 =	srdreg.scid  }
0x8b: {  	s0 =	sand.u32 $0x1, s1  }
0x8c: {  	s17 =	sshll.u32 s0, $0xA;
	s2 =	sadd.s32 s3, s2  }
0x8d: {  	s2 =	sadd.s32 s2, s17  }
0x8e: {  	[smem:$0x3FC2] =	sst s2  }
0x8f: {  	_ = 	snop  }
0x90: {  	s2 =	sld [smem:$0x3FD0];
	(tm) =	ssettm $0x1  }
0x91: {  	s18 =	sld [smem:$0x3FFB];
	_ =	sdelay $0x3  }
0x92: {  	_ =	strace s18  }
0x93: {  	s3 =	sld [smem:$0x3FFC];
	_ =	sdelay $0x3  }
0x94: {  	_ =	strace s3  }
0x95: {  	s3 =	sld [smem:$0x3FFD];
	_ =	sdelay $0x3  }
0x96: {  	_ =	strace s3  }
0x97: {  	_ =	strace $0x8FFFFFFF  }
0x98: {  	s19 =	sld [smem:$0x3FDB];
	_ =	sdelay $0x1  }
0x99: {  	s4 =	simm.s32 $_scs_section_size  }
0x9a: {  	s5 =	simm.s32 $_size__tile_overlayer_lowered;
	s6 =	simm.s32 $_tile_overlayer_lowered  }
0x9b: {  	s22 =	simm.s32 $0x1BFF;
	s21 =	sshll.u32 s6, $0x1;
	s3 =	sadd.s32 s4, s19  }
0x9c: {  	s7 =	simm.s32 $0x0;
	s20 =	sshll.u32 s5, $0x1;
	s5 =	sadd.s32 s21, s3  }
0x9d: {  	[timem:s7], [sflag:s22] =	dma.local [hbm:s5], s20  }
0x9e: {  	_ =	swait.ge [sflag:s22], s20  }
0x9f: {  	s4 =	ssub.s32 $0x0, s20;
	[sflag:s22] =	ssyncset.done $0x0  }
0xa0: {  	[sflag:s22] =	ssyncadd.s32 s4;
	_ =	sdelay $0x1  }
0xa1: {  	s23 =	simm.s32 $0x1B8B  }
0xa2: {  	_ =	swait.ge [sflag:s23], $0x1  }
0xa3: {  	[sflag:s23] =	ssyncset.done $0x0  }
0xa4: {  	s25 =	simm.s32 $0x1B8E;
	s24 =	sld [smem:$0x3FFE];
	[sflag:s23] =	ssyncadd.s32 $0xFFFFFFFF  }
0xa5: {  	s26 =	simm.s32 $execute0_lowered;
	[smem:$0x3FD2] =	sst s25  }
0xa6: {  	s5 =	sshll.u32 s26, $0x1;
	_ =	strace $0x80000049;
	[dreg:$0x1] =	wrdreg $0xFFFFFFFF  }
0xa7: {  	s28 =	simm.s32 $_size_execute0_lowered;
	s3 =	sadd.s32 s3, s5;
	[dreg:$0x0] =	wrdreg $0x0  }
0xa8: {  	s5 =	sshll.u32 s28, $0x1;
	[dreg:$0x2] =	wrdreg s3  }
0xa9: {  	[dreg:$0x3] =	wrdreg s5  }
0xaa: {  	[dreg:$0x4] =	wrdreg $0xC0  }
0xab: {  	_ =	task [dreg:s7], $0x5FFFF  }
0xac: {  	[dreg:$0x1] =	wrdreg $0xFFFFFFFF  }
0xad: {  	[dreg:$0x0] =	wrdreg $0x60  }
0xae: {  	[dreg:$0x2] =	wrdreg s2  }
0xaf: {  	[dreg:$0x3] =	wrdreg s24  }
0xb0: {  	[dreg:$0x4] =	wrdreg $0xA8000  }
0xb1: {  	[dreg:$0x5] =	wrdreg $0x9  }
0xb2: {  	_ =	task.clear_ibuf [dreg:s7], $0x6FFFF;
	_ =	strace $0x90000049  }
0xb3: {  	s29 =	simm.s32 $0x9;
	_ =	strace $0x8000004B  }
0xb4: {  	_ =	swait.ge [sflag:s29], $0x1  }
0xb5: {  	[sflag:s29] =	ssyncadd.s32 $0xFFFFFFFF  }
0xb6: {  	_ =	strace $0x9000004B  }
0xb7: {  	_ =	sfence  }
0xb8: {  	s30 =	sld [smem:$0x0];
	_ =	sdelay $0x2  }
0xb9: {  	s31 =	sshll.u32 s1, $0xD;
	s1 =	sshrl.u32 s1, $0x2  }
0xba: {  	s3 =	sand.u32 $0x4000, s31;
	s1 =	sadd.s32 s1, s30  }
0xbb: {  	s0 =	sor.u32 s3, s0;
	s1 =	sshll.u32 s1, $0x11  }
0xbc: {  	s0 =	sor.u32 s1, s0  }
0xbd: {  	s0 =	sadd.s32 $0x8F2B, s0  }
0xbe: {  	[sflag:s0] =	ssyncadd.remote.s32 $0x1  }
0xbf: {  	_ =	sfence.sel $0xFFFF  }
0xc0: {  	[dreg:$0x0] =	wrdreg $0xFFFFFFFF;
	(pc) =	sbr.abs _section_cstart, $3  }
0xc1: {  	[dreg:$0x1] =	wrdreg $0xFFFFFFFF  }
0xc2: {  	_ =	task.clear_ibuf [dreg:s7], $0x2FFFF;
	_ =	strace $0x9FFFFFFF  }
0xc3: {  	(tm) =	ssettm $0x7FFFFFFF  }
tec
execute0_lowered:
.L_overlay_start_1:
0x0: {  	(tag) =	ssettag $0x1  }
0x1: {  	s2 =	rddreg [dreg:$0x0]  }
0x2: {  	s5 =	rddreg [dreg:$0x1]  }
0x3: {  	s3 =	rddreg [dreg:$0x2]  }
0x4: {  	s0 =	rddreg [dreg:$0x3]  }
0x5: {  	s1 =	stileid.u32;
	s4 =	simm.s32 $0x0;
	s7 =	srdreg.scid  }
0x6: {  	s17 =	simm.s32 $0x2;
	s18 =	simm.s32 $0x3;
	s19 =	simm.s32 $0x80  }
0x7: {  	s20 =	simm.s32 $0x2800;
	s21 =	simm.s32 $0x6800;
	s22 =	simm.s32 $0x4  }
0x8: {  	s23 =	simm.s32 $0x2780;
	s24 =	simm.s32 $0x5;
	s25 =	simm.s32 $0x0  }
0x9: {  	s6 =	smul.u32 $0x14000, s1;
	[smem:$0x7FF] =	sst s4;
	s7 =	sand.u32 $0x1, s7  }
0xa: {  	s10 =	sadd.s32 $0xC200, s5;
	s11 =	sadd.s32 $0x2200, s5;
	s12 =	smul.u32 $0x50000, s1  }
0xb: {  	s28 =	sshll.u32 s1, $0x1;
	_ =	strace $0x8000004A;
	s9 =	smul.u32 $0x140000, s7  }
0xc: {  	s13 =	ssub.s32 $0x2, s7;
	s7 =	sor.u32 s7, s28;
	s8 =	sshrl.u32 s6, $0x3  }
0xd: {  	s29 =	sshrl.u32 s13, $0x1;
	s12 =	sshrl.u32 s12, $0x2;
	s14 =	smul.u32 $0x2800, s7  }
0xe: {  	s30 =	smul.u32 $0x500, s7;
	s8 =	sadd.s32 s8, s5;
	s6 =	sadd.s32 s6, s9  }
0xf: {  	s13 =	ssub.s32 s13, s29;
	s16 =	sadd.s32 s12, s3;
	s6 =	sshrl.u32 s6, $0x3  }
0x10: {  	s31 =	sshrl.u32 s14, $0x3;
	s9 =	sadd.s32 s11, s30;
	s13 =	smax.u32 s13, $0x1  }
0x11: {  	s14 =	sshrl.u32 s16, $0x3;
	s16 =	simm.s32 $0x1;
	s15 =	sadd.s32 s6, s5  }
0x12: {  	s5 =	sshll.u32 s1, $0x6;
	s6 =	sadd.s32 $0x16200, s8;
	s12 =	sadd.s32 $0x280, s31  }
0x13: {  	s8 =	sadd.s32 s10, s30;
	s7 =	sor.u32 $0x1C01, s5;
	s10 =	sadd.s32 s10, s12  }
0x14: {  	s11 =	sadd.s32 s11, s12;
	s12 =	sadd.s32 $0x3E200, s15;
	s15 =	simm.s32 $0x1400  }
.LBB2_1:
0x15: {  	[spmem:s14], [sflag:s7] =	dma.local [hbm:s6], $0x2800  }
0x16: {  	[tilespmem:s4], [sflag:$0x2] =	stream.linear.gather [hbm4b:s8+s4], $0x1400, $0x38;
	[tilespmem:$0x1E800] =	vst v63  }
0x17: {  	_ = 	snop  }
0x18: {  	[tilespmem:s15], [sflag:$0x3] =	stream.linear.gather [hbm4b:s9+s4], $0x1400, $0x38;
	[tilespmem:$0x1E800] =	vst v63  }
0x19: {  	_ =	swait.ge [sflag:s16], $0x2800  }
0x1a: {  	[sflag:s16] =	ssyncset.done $0x0  }
0x1b: {  	[sflag:s16] =	ssyncadd.s32 $0xFFFFD800  }
0x1c: {  	_ =	swait.ge [sflag:s17], $0x1400  }
0x1d: {  	[sflag:s17] =	ssyncset.done $0x0  }
0x1e: {  	[sflag:s17] =	ssyncadd.s32 $0xFFFFEC00  }
0x1f: {  	_ =	swait.ge [sflag:s18], $0x1400  }
0x20: {  	[sflag:s18] =	ssyncset.done $0x0  }
0x21: {  	[sflag:s18] =	ssyncadd.s32 $0xFFFFEC00  }
0x22: {  	[bflag:$0x0] =	sbarrier.arrive $0xFFFF  }
0x23: {  	[tilespmem:s20], [sflag:$0x1] =	stream.indirect.gather [hbm4b:s2+s19], $0x80, s4, s19, $0xb8;
	[tilespmem:$0x1E800] =	vst v63  }
0x24: {  	_ = 	snop  }
0x25: {  	[tilespmem:s21], [sflag:$0x2] =	stream.indirect.gather [hbm4b:s2+s19], $0x80, s19, s19, $0xb8;
	[tilespmem:$0x1E800] =	vst v63  }
0x26: {  	_ =	swait.ge [sflag:s16], $0x4000  }
0x27: {  	[sflag:s16] =	ssyncset.done $0x0  }
0x28: {  	[sflag:s16] =	ssyncadd.s32 $0xFFFFC000  }
0x29: {  	[spmem:s3] =	stream.indirect.scatter.add.f32 [tilespmem:s20], [sflag:$0x3], $0x80, s15, s19, $0xb8;
	[tilespmem:$0x1E800] =	vst v63  }
0x2a: {  	_ =	swait.ge [sflag:s18], $0x4000  }
0x2b: {  	[sflag:s18] =	ssyncset.done $0x0  }
0x2c: {  	s26 =	simm.s32 $0x100;
	[sflag:s18] =	ssyncadd.s32 $0xFFFFC000  }
0x2d: {  	[tilespmem:s20], [sflag:$0x1] =	stream.indirect.gather [hbm4b:s2+s19], $0x80, s26, s19, $0xb8;
	[tilespmem:$0x1E800] =	vst v63  }
0x2e: {  	_ =	swait.ge [sflag:s17], $0x4000  }
0x2f: {  	[sflag:s17] =	ssyncset.done $0x0  }
0x30: {  	s30 =	simm.s32 $0x1480;
	[sflag:s17] =	ssyncadd.s32 $0xFFFFC000  }
0x31: {  	[spmem:s3] =	stream.indirect.scatter.add.f32 [tilespmem:s21], [sflag:$0x4], $0x80, s30, s19, $0xb8;
	[tilespmem:$0x1E800] =	vst v63  }
0x32: {  	_ =	swait.ge [sflag:s22], $0x4000  }
0x33: {  	[sflag:s22] =	ssyncset.done $0x0  }
0x34: {  	s31 =	simm.s32 $0x180;
	[sflag:s22] =	ssyncadd.s32 $0xFFFFC000  }
0x35: {  	[tilespmem:s21], [sflag:$0x2] =	stream.indirect.gather [hbm4b:s2+s19], $0x80, s31, s19, $0xb8;
	[tilespmem:$0x1E800] =	vst v63  }
0x36: {  	_ =	swait.ge [sflag:s16], $0x4000  }
0x37: {  	[sflag:s16] =	ssyncset.done $0x0  }
0x38: {  	s28 =	simm.s32 $0x1500;
	s26 =	simm.s32 $0xFFFFB800;
	[sflag:s16] =	ssyncadd.s32 $0xFFFFC000  }
.LBB2_2:
0x39: {  	[spmem:s3] =	stream.indirect.scatter.add.f32 [tilespmem:s20], [sflag:$0x3], $0x80, s28, s19, $0xb8;
	[tilespmem:$0x1E800] =	vst v63  }
0x3a: {  	s28 =	smov.u32 s26  }
0x3b: {  	p0 =	sne.s32 s26, $0xFFFFFC00;
	s26 =	sadd.s32 $0x400, s26;
	_ =	swait.ge [sflag:s18], $0x4000  }
0x3c: {  	s28 =	sshra.s32 s28, $0x2;
	[sflag:s18] =	ssyncset.done $0x0  }
0x3d: {  	s29 =	sadd.s32 $0x1400, s28;
	[sflag:s18] =	ssyncadd.s32 $0xFFFFC000  }
0x3e: {  	[tilespmem:s20], [sflag:$0x1] =	stream.indirect.gather [hbm4b:s2+s19], $0x80, s29, s19, $0xb8;
	[tilespmem:$0x1E800] =	vst v63  }
0x3f: {  	_ =	swait.ge [sflag:s17], $0x4000  }
0x40: {  	[sflag:s17] =	ssyncset.done $0x0  }
0x41: {  	s29 =	sadd.s32 $0x2780, s28;
	[sflag:s17] =	ssyncadd.s32 $0xFFFFC000  }
0x42: {  	[spmem:s3] =	stream.indirect.scatter.add.f32 [tilespmem:s21], [sflag:$0x4], $0x80, s29, s19, $0xb8;
	[tilespmem:$0x1E800] =	vst v63  }
0x43: {  	_ =	swait.ge [sflag:s22], $0x4000  }
0x44: {  	[sflag:s22] =	ssyncset.done $0x0  }
.Ltmp0:
0x45: {  	s29 =	sadd.s32 $0x1480, s28;
	[sflag:s22] =	ssyncadd.s32 $0xFFFFC000;
	(pc) =	sbr.rel @p0 .LBB2_2-.Ltmp0, $4  }
0x46: {  	[tilespmem:s21], [sflag:$0x2] =	stream.indirect.gather [hbm4b:s2+s19], $0x80, s29, s19, $0xb8;
	[tilespmem:$0x1E800] =	vst v63  }
0x47: {  	_ =	swait.ge [sflag:s16], $0x4000  }
0x48: {  	[sflag:s16] =	ssyncset.done $0x0  }
0x49: {  	s28 =	sadd.s32 $0x2800, s28;
	[sflag:s16] =	ssyncadd.s32 $0xFFFFC000  }
0x4a: {  	[spmem:s3] =	stream.indirect.scatter.add.f32 [tilespmem:s20], [sflag:$0x3], $0x80, s28, s19, $0xb8;
	[tilespmem:$0x1E800] =	vst v63  }
0x4b: {  	_ =	swait.ge [sflag:s18], $0x4000  }
0x4c: {  	[sflag:s18] =	ssyncset.done $0x0  }
0x4d: {  	[sflag:s18] =	ssyncadd.s32 $0xFFFFC000  }
0x4e: {  	_ =	swait.ge [sflag:s17], $0x4000  }
0x4f: {  	[sflag:s17] =	ssyncset.done $0x0  }
0x50: {  	[sflag:s17] =	ssyncadd.s32 $0xFFFFC000  }
0x51: {  	[spmem:s3] =	stream.indirect.scatter.add.f32 [tilespmem:s21], [sflag:$0x4], $0x80, s23, s19, $0xb8;
	[tilespmem:$0x1E800] =	vst v63  }
0x52: {  	_ =	swait.ge [sflag:s22], $0x4000  }
0x53: {  	[sflag:s22] =	ssyncset.done $0x0  }
0x54: {  	[sflag:s22] =	ssyncadd.s32 $0xFFFFC000  }
0x55: {  	[tilespmem:s4], [sflag:$0x5] =	stream.linear.gather [hbm4b:s10+s4], $0x1400, $0x38;
	[tilespmem:$0x1E800] =	vst v63  }
0x56: {  	_ =	swait.ge [sflag:s24], $0x1400  }
0x57: {  	[sflag:s24] =	ssyncset.done $0x0  }
0x58: {  	[sflag:s24] =	ssyncadd.s32 $0xFFFFEC00  }
0x59: {  	[tilespmem:s15], [sflag:$0x5] =	stream.linear.gather [hbm4b:s11+s4], $0x1400, $0x38;
	[tilespmem:$0x1E800] =	vst v63  }
0x5a: {  	_ =	swait.ge [sflag:s24], $0x1400  }
0x5b: {  	[sflag:s24] =	ssyncset.done $0x0  }
0x5c: {  	[sflag:s24] =	ssyncadd.s32 $0xFFFFEC00  }
0x5d: {  	[tilespmem:s20], [sflag:$0x1] =	stream.indirect.gather [hbm4b:s2+s19], $0x80, s4, s19, $0xb8;
	[tilespmem:$0x1E800] =	vst v63  }
0x5e: {  	_ = 	snop  }
0x5f: {  	[tilespmem:s21], [sflag:$0x2] =	stream.indirect.gather [hbm4b:s2+s19], $0x80, s19, s19, $0xb8;
	[tilespmem:$0x1E800] =	vst v63  }
0x60: {  	_ =	swait.ge [sflag:s16], $0x4000  }
0x61: {  	[sflag:s16] =	ssyncset.done $0x0  }
0x62: {  	[sflag:s16] =	ssyncadd.s32 $0xFFFFC000  }
0x63: {  	[spmem:s3] =	stream.indirect.scatter.add.f32 [tilespmem:s20], [sflag:$0x3], $0x80, s15, s19, $0xb8;
	[tilespmem:$0x1E800] =	vst v63  }
0x64: {  	_ =	swait.ge [sflag:s18], $0x4000  }
0x65: {  	[sflag:s18] =	ssyncset.done $0x0  }
0x66: {  	s26 =	simm.s32 $0x100;
	[sflag:s18] =	ssyncadd.s32 $0xFFFFC000  }
0x67: {  	[tilespmem:s20], [sflag:$0x1] =	stream.indirect.gather [hbm4b:s2+s19], $0x80, s26, s19, $0xb8;
	[tilespmem:$0x1E800] =	vst v63  }
0x68: {  	_ =	swait.ge [sflag:s17], $0x4000  }
0x69: {  	[sflag:s17] =	ssyncset.done $0x0  }
0x6a: {  	s30 =	simm.s32 $0x1480;
	[sflag:s17] =	ssyncadd.s32 $0xFFFFC000  }
0x6b: {  	[spmem:s3] =	stream.indirect.scatter.add.f32 [tilespmem:s21], [sflag:$0x4], $0x80, s30, s19, $0xb8;
	[tilespmem:$0x1E800] =	vst v63  }
0x6c: {  	_ =	swait.ge [sflag:s22], $0x4000  }
0x6d: {  	[sflag:s22] =	ssyncset.done $0x0  }
0x6e: {  	s31 =	simm.s32 $0x180;
	[sflag:s22] =	ssyncadd.s32 $0xFFFFC000  }
0x6f: {  	[tilespmem:s21], [sflag:$0x2] =	stream.indirect.gather [hbm4b:s2+s19], $0x80, s31, s19, $0xb8;
	[tilespmem:$0x1E800] =	vst v63  }
0x70: {  	_ =	swait.ge [sflag:s16], $0x4000  }
0x71: {  	[sflag:s16] =	ssyncset.done $0x0  }
0x72: {  	s28 =	simm.s32 $0x1500;
	s26 =	simm.s32 $0xFFFFB800;
	[sflag:s16] =	ssyncadd.s32 $0xFFFFC000  }
.LBB2_4:
0x73: {  	[spmem:s3] =	stream.indirect.scatter.add.f32 [tilespmem:s20], [sflag:$0x3], $0x80, s28, s19, $0xb8;
	[tilespmem:$0x1E800] =	vst v63  }
0x74: {  	s28 =	smov.u32 s26  }
0x75: {  	p0 =	sne.s32 s26, $0xFFFFFC00;
	s26 =	sadd.s32 $0x400, s26;
	_ =	swait.ge [sflag:s18], $0x4000  }
0x76: {  	s28 =	sshra.s32 s28, $0x2;
	[sflag:s18] =	ssyncset.done $0x0  }
0x77: {  	s29 =	sadd.s32 $0x1400, s28;
	[sflag:s18] =	ssyncadd.s32 $0xFFFFC000  }
0x78: {  	[tilespmem:s20], [sflag:$0x1] =	stream.indirect.gather [hbm4b:s2+s19], $0x80, s29, s19, $0xb8;
	[tilespmem:$0x1E800] =	vst v63  }
0x79: {  	_ =	swait.ge [sflag:s17], $0x4000  }
0x7a: {  	[sflag:s17] =	ssyncset.done $0x0  }
0x7b: {  	s29 =	sadd.s32 $0x2780, s28;
	[sflag:s17] =	ssyncadd.s32 $0xFFFFC000  }
0x7c: {  	[spmem:s3] =	stream.indirect.scatter.add.f32 [tilespmem:s21], [sflag:$0x4], $0x80, s29, s19, $0xb8;
	[tilespmem:$0x1E800] =	vst v63  }
0x7d: {  	_ =	swait.ge [sflag:s22], $0x4000  }
0x7e: {  	[sflag:s22] =	ssyncset.done $0x0  }
.Ltmp1:
0x7f: {  	s29 =	sadd.s32 $0x1480, s28;
	[sflag:s22] =	ssyncadd.s32 $0xFFFFC000;
	(pc) =	sbr.rel @p0 .LBB2_4-.Ltmp1, $4  }
0x80: {  	[tilespmem:s21], [sflag:$0x2] =	stream.indirect.gather [hbm4b:s2+s19], $0x80, s29, s19, $0xb8;
	[tilespmem:$0x1E800] =	vst v63  }
0x81: {  	_ =	swait.ge [sflag:s16], $0x4000  }
0x82: {  	[sflag:s16] =	ssyncset.done $0x0  }
0x83: {  	s28 =	sadd.s32 $0x2800, s28;
	[sflag:s16] =	ssyncadd.s32 $0xFFFFC000  }
0x84: {  	[spmem:s3] =	stream.indirect.scatter.add.f32 [tilespmem:s20], [sflag:$0x3], $0x80, s28, s19, $0xb8;
	[tilespmem:$0x1E800] =	vst v63  }
0x85: {  	_ =	swait.ge [sflag:s18], $0x4000  }
0x86: {  	[sflag:s18] =	ssyncset.done $0x0  }
0x87: {  	[sflag:s18] =	ssyncadd.s32 $0xFFFFC000  }
0x88: {  	_ =	swait.ge [sflag:s17], $0x4000  }
0x89: {  	[sflag:s17] =	ssyncset.done $0x0  }
0x8a: {  	[sflag:s17] =	ssyncadd.s32 $0xFFFFC000  }
0x8b: {  	[spmem:s3] =	stream.indirect.scatter.add.f32 [tilespmem:s21], [sflag:$0x4], $0x80, s23, s19, $0xb8;
	[tilespmem:$0x1E800] =	vst v63  }
0x8c: {  	_ =	swait.ge [sflag:s22], $0x4000  }
0x8d: {  	s25 =	sadd.s32 $0x1, s25;
	[sflag:s22] =	ssyncset.done $0x0  }
0x8e: {  	p0 =	sne.s32 s25, s13;
	[sflag:s22] =	ssyncadd.s32 $0xFFFFC000  }
.Ltmp2:
0x8f: {  	s26 =	sor.u32 $0x1C05, s5;
	[bflag:$0x0] =	sbarrier.arrive $0xFFFF;
	(pc) =	sbr.rel @p0 .LBB2_1-.Ltmp2, $4  }
0x90: {  	[hbm:s12], [sflag:s26] =	dma.local [spmem:s14], $0x2800  }
0x91: {  	_ =	swait.ge [sflag:s24], $0x2800  }
0x92: {  	[sflag:s24] =	ssyncset.done $0x0  }
0x93: {  	[sflag:s24] =	ssyncadd.s32 $0xFFFFD800  }
0x94: {  	_ =	sfence.sel $0x180000  }
0x95: {  	[bflag:$0x0] =	sbarrier.arrive $0xFFFF  }
0x96: {  	p0 =	sne.s32 s1, $0x0;
	_ =	strace $0x9000004A  }
0x97: {  	s0 =	sadd.s32 @!p0 $0x100000, s0;
	[bflag:$0x2] =	sbarrier.arrive $0xFFFF  }
0x98: {  	[sflag:s0] =	ssyncadd.tile.s32 @!p0 $0x1;
	_ =	shalt  }
.Lfunc_end2:
_tile_overlayer_lowered:
.L_overlay_start_2:
0x99: {  	(tag) =	ssettag $0x2  }
0x9a: {  	s0 =	rddreg [dreg:$0x0];
	s2 =	stileid.u32  }
0x9b: {  	s1 =	rddreg [dreg:$0x1];
	p0 =	sne.s32 s2, $0x0  }
0x9c: {  	s3 =	rddreg [dreg:$0x2];
	[bflag:$0x3] =	sbarrier.arrive $0xFFFF;
	s2 =	simm.s32 @!p0 $0x1C05  }
0x9d: {  	[timem:s3], [sflag:s2] =	dma.local @!p0 [hbm:s0], s1  }
0x9e: {  	s0 =	simm.s32 @!p0 $0x5  }
0x9f: {  	_ =	swait.ge @!p0 [sflag:s0], s1  }
0xa0: {  	s1 =	ssub.s32 @!p0 $0x0, s1;
	[sflag:s0] =	ssyncset.done @!p0 $0x0  }
0xa1: {  	[sflag:s0] =	ssyncadd.s32 @!p0 s1  }
0xa2: {  	[bflag:$0x3] =	sbarrier.arrive $0xFFFF  }
0xa3: {  	_ =	shalt  }

// kernel: kernel.15.cloned.1.call-start
scs
__scs_entry_jumppad:
0x0: {  	(pc) =	sbr.rel $0x88, $3  }
0x1: {  	(tag) =	ssettag $0x0;
	lr =	simm.s32 $0x1  }
0x2: {  	[smem:$0x3F9B] =	sst lr;
	_ =	strace $0xD0000000  }
0x3: {  	_ = 	snop  }
0x4: {  	_ = 	snop  }
0x5: {  	_ = 	snop  }
0x6: {  	_ = 	snop  }
0x7: {  	_ = 	snop  }
__scs_overlays_trampoline_lowered:
0x8: {  	[smem:$0x3FAA] =	sst s0  }
0x9: {  	[smem:$0x3FAB] =	sst s1  }
0xa: {  	[smem:$0x3FAC] =	sst s2  }
0xb: {  	[smem:$0x3FAD] =	sst s3  }
0xc: {  	[smem:$0x3FAE] =	sst s4  }
0xd: {  	[smem:$0x3FAF] =	sst s5  }
0xe: {  	[smem:$0x3FB0] =	sst s6  }
0xf: {  	[smem:$0x3FB1] =	sst s7  }
0x10: {  	[smem:$0x3FB2] =	sst s8  }
0x11: {  	[smem:$0x3FB3] =	sst s9;
	s0 =	simm.s32 @!p0 $0x0  }
0x12: {  	s1 =	sld [smem:$0x3F99];
	s0 =	simm.s32 @p0 $0x1  }
0x13: {  	[smem:$0x3FB4] =	sst s0;
	s0 =	simm.s32 @!p1 $0x0  }
0x14: {  	s2 =	sld [smem:$0x3F98];
	s0 =	simm.s32 @p1 $0x1  }
0x15: {  	[smem:$0x3FB5] =	sst s0;
	s0 =	simm.s32 @!p2 $0x0  }
0x16: {  	s3 =	sld [smem:$0x3FDB];
	s0 =	simm.s32 @p2 $0x1  }
0x17: {  	s4 =	simm.s32 $0x1BF5;
	[smem:$0x3FB7] =	sst s0  }
0x18: {  	s0 =	sld [smem:$0x3F9A];
	_ =	swait.ge [sflag:s4], $0x0  }
0x19: {  	s7 =	sld [smem:$0x3F9B]  }
0x1a: {  	s8 =	sadd.s32 $0xFFFFE003, lr  }
0x1b: {  	s9 =	sadd.s32 $0xFFFFFEF7, lr;
	s5 =	simm.s32 $0xFFFFFFFF;
	p2 =	slt.u32 s8, $0xFFFFF086  }
0x1c: {  	p1 =	slt.u32 s9, $0xF7A;
	s5 =	simm.s32 @!p2 $0x0  }
0x1d: {  	s5 =	simm.s32 @p1 $0x1;
	p0 =	seq.s32 s7, s2  }
0x1e: {  	s7 =	smul.u32 @!p0 $0xF7A, s2;
	p2 =	seq.s32 @!p0 s5, $0x0  }
0x1f: {  	s9 =	smul.u32 $0xF7A, s1;
	s8 =	simm.s32 @!p0 $0x1BF5;
	p2 =	por !p2, p0  }
0x20: {  	[sflag:s8] =	ssyncset.s32 @!p0 $0xFFFFF086;
	s6 =	sadd.s32 @!p0 s3, s7;
	s7 =	simm.s32 @!p0 $0x108  }
0x21: {  	s3 =	sadd.s32 s3, s9;
	s6 =	sadd.s32 @!p0 $0x88, s6;
	s7 =	simm.s32 @p2 $0x1082  }
0x22: {  	[simem:s7], [sflag:s8] =	dma.local @!p0 [hbm:s6], $0xF7A  }
0x23: {  	s9 =	sor.u32 $0xD0000000, s2;
	s6 =	simm.s32 $0x108;
	_ =	swait.ge @!p0 [sflag:s8], $0x0  }
0x24: {  	s3 =	sadd.s32 $0x88, s3;
	s6 =	simm.s32 @!p1 $0x1082;
	[sflag:s4] =	ssyncset.s32 $0xFFFFF086  }
0x25: {  	[simem:s6], [sflag:s4] =	dma.local [hbm:s3], $0xF7A  }
0x26: {  	[smem:$0x3F9B] =	sst s1;
	(tag) =	ssettag s2;
	_ =	strace s9  }
0x27: {  	s1 =	sld [smem:$0x3FAB]  }
0x28: {  	s2 =	sld [smem:$0x3FAC]  }
0x29: {  	s4 =	sld [smem:$0x3FAE]  }
0x2a: {  	p0 =	seq.s32 s5, $0x0;
	s5 =	sld [smem:$0x3FAF]  }
0x2b: {  	s6 =	sld [smem:$0x3FB0]  }
0x2c: {  	s7 =	sld [smem:$0x3FB1]  }
0x2d: {  	s3 =	simm.s32 $0x108;
	s8 =	sld [smem:$0x3FB2]  }
0x2e: {  	s3 =	simm.s32 @!p0 $0x1082;
	s9 =	sld [smem:$0x3FB3]  }
0x2f: {  	lr =	sadd.s32 s0, s3;
	s0 =	sld [smem:$0x3FAA]  }
0x30: {  	s3 =	sld [smem:$0x3FAD]  }
0x31: {  	[smem:$0x3FB6] =	sst s10  }
0x32: {  	s10 =	sld [smem:$0x3FB4];
	_ =	sdelay $0x3  }
0x33: {  	p0 =	seq.s32 s10, $0x1;
	s10 =	sld [smem:$0x3FB6];
	_ =	sdelay $0x3  }
0x34: {  	[smem:$0x3FB6] =	sst s10  }
0x35: {  	s10 =	sld [smem:$0x3FB5];
	_ =	sdelay $0x3  }
0x36: {  	p1 =	seq.s32 s10, $0x1;
	s10 =	sld [smem:$0x3FB6];
	_ =	sdelay $0x3  }
0x37: {  	[smem:$0x3FB6] =	sst s10  }
0x38: {  	s10 =	sld [smem:$0x3FB7]  }
0x39: {  	_ = 	snop;
	(pc) =	sbr.ind lr, $3  }
0x3a: {  	_ = 	snop  }
0x3b: {  	_ = 	snop  }
0x3c: {  	p2 =	seq.s32 s10, $0x1;
	s10 =	sld [smem:$0x3FB6]  }
0x3d: {  	_ =	shalt  }
0x3e: {  	_ =	shalt  }
0x3f: {  	_ =	shalt  }
0x40: {  	_ =	shalt  }
0x41: {  	_ =	shalt  }
0x42: {  	_ =	shalt  }
0x43: {  	_ =	shalt  }
0x44: {  	_ =	shalt  }
0x45: {  	_ =	shalt  }
0x46: {  	_ =	shalt  }
0x47: {  	_ =	shalt  }
0x48: {  	_ =	shalt  }
0x49: {  	_ =	shalt  }
0x4a: {  	_ =	shalt  }
0x4b: {  	_ =	shalt  }
0x4c: {  	_ =	shalt  }
0x4d: {  	_ =	shalt  }
0x4e: {  	_ =	shalt  }
0x4f: {  	_ =	shalt  }
0x50: {  	_ =	shalt  }
0x51: {  	_ =	shalt  }
0x52: {  	_ =	shalt  }
0x53: {  	_ =	shalt  }
0x54: {  	_ =	shalt  }
0x55: {  	_ =	shalt  }
0x56: {  	_ =	shalt  }
0x57: {  	_ =	shalt  }
0x58: {  	_ =	shalt  }
0x59: {  	_ =	shalt  }
0x5a: {  	_ =	shalt  }
0x5b: {  	_ =	shalt  }
0x5c: {  	_ =	shalt  }
0x5d: {  	_ =	shalt  }
0x5e: {  	_ =	shalt  }
0x5f: {  	_ =	shalt  }
0x60: {  	_ =	shalt  }
0x61: {  	_ =	shalt  }
0x62: {  	_ =	shalt  }
0x63: {  	_ =	shalt  }
0x64: {  	_ =	shalt  }
0x65: {  	_ =	shalt  }
0x66: {  	_ =	shalt  }
0x67: {  	_ =	shalt  }
0x68: {  	_ =	shalt  }
0x69: {  	_ =	shalt  }
0x6a: {  	_ =	shalt  }
0x6b: {  	_ =	shalt  }
0x6c: {  	_ =	shalt  }
0x6d: {  	_ =	shalt  }
0x6e: {  	_ =	shalt  }
0x6f: {  	_ =	shalt  }
0x70: {  	_ =	shalt  }
0x71: {  	_ =	shalt  }
0x72: {  	_ =	shalt  }
0x73: {  	_ =	shalt  }
0x74: {  	_ =	shalt  }
0x75: {  	_ =	shalt  }
0x76: {  	_ =	shalt  }
0x77: {  	_ =	shalt  }
0x78: {  	_ =	shalt  }
0x79: {  	_ =	shalt  }
0x7a: {  	_ =	shalt  }
0x7b: {  	_ =	shalt  }
0x7c: {  	_ =	shalt  }
0x7d: {  	_ =	shalt  }
0x7e: {  	_ =	shalt  }
0x7f: {  	_ =	shalt  }
0x80: {  	_ =	shalt  }
0x81: {  	_ =	shalt  }
0x82: {  	_ =	shalt  }
0x83: {  	_ =	shalt  }
0x84: {  	_ =	shalt  }
0x85: {  	_ =	shalt  }
0x86: {  	_ =	shalt  }
0x87: {  	_ =	shalt  }
.Lfunc_end0:
.L_simem_size_0:
called_computation.2_lowered:
.L_overlay_start_0:
0x88: {  	s2 =	sld [smem:$0x3FD9]  }
0x89: {  	s3 =	sld [smem:$0x3FFE];
	_ =	sdelay $0x1  }
0x8a: {  	s1 =	srdreg.scid  }
0x8b: {  	s0 =	sand.u32 $0x1, s1  }
0x8c: {  	s17 =	sshll.u32 s0, $0xA;
	s2 =	sadd.s32 s3, s2  }
0x8d: {  	s2 =	sadd.s32 s2, s17  }
0x8e: {  	[smem:$0x3FC2] =	sst s2  }
0x8f: {  	_ = 	snop  }
0x90: {  	s2 =	sld [smem:$0x3FD0];
	(tm) =	ssettm $0x1  }
0x91: {  	s18 =	sld [smem:$0x3FFB];
	_ =	sdelay $0x3  }
0x92: {  	_ =	strace s18  }
0x93: {  	s3 =	sld [smem:$0x3FFC];
	_ =	sdelay $0x3  }
0x94: {  	_ =	strace s3  }
0x95: {  	s3 =	sld [smem:$0x3FFD];
	_ =	sdelay $0x3  }
0x96: {  	_ =	strace s3  }
0x97: {  	_ =	strace $0x8FFFFFFF  }
0x98: {  	s19 =	sld [smem:$0x3FDB];
	_ =	sdelay $0x1  }
0x99: {  	s4 =	simm.s32 $_scs_section_size  }
0x9a: {  	s5 =	simm.s32 $_size__tile_overlayer_lowered;
	s6 =	simm.s32 $_tile_overlayer_lowered  }
0x9b: {  	s22 =	simm.s32 $0x1BFF;
	s21 =	sshll.u32 s6, $0x1;
	s3 =	sadd.s32 s4, s19  }
0x9c: {  	s7 =	simm.s32 $0x0;
	s20 =	sshll.u32 s5, $0x1;
	s5 =	sadd.s32 s21, s3  }
0x9d: {  	[timem:s7], [sflag:s22] =	dma.local [hbm:s5], s20  }
0x9e: {  	_ =	swait.ge [sflag:s22], s20  }
0x9f: {  	s4 =	ssub.s32 $0x0, s20;
	[sflag:s22] =	ssyncset.done $0x0  }
0xa0: {  	[sflag:s22] =	ssyncadd.s32 s4;
	_ =	sdelay $0x1  }
0xa1: {  	s23 =	simm.s32 $0x1B8B  }
0xa2: {  	_ =	swait.ge [sflag:s23], $0x1  }
0xa3: {  	[sflag:s23] =	ssyncset.done $0x0  }
0xa4: {  	s25 =	simm.s32 $0x1B8E;
	s24 =	sld [smem:$0x3FFE];
	[sflag:s23] =	ssyncadd.s32 $0xFFFFFFFF  }
0xa5: {  	s26 =	simm.s32 $execute0_lowered;
	[smem:$0x3FD2] =	sst s25  }
0xa6: {  	s5 =	sshll.u32 s26, $0x1;
	_ =	strace $0x8000004C;
	[dreg:$0x1] =	wrdreg $0xFFFFFFFF  }
0xa7: {  	s28 =	simm.s32 $_size_execute0_lowered;
	s3 =	sadd.s32 s3, s5;
	[dreg:$0x0] =	wrdreg $0x0  }
0xa8: {  	s5 =	sshll.u32 s28, $0x1;
	[dreg:$0x2] =	wrdreg s3  }
0xa9: {  	[dreg:$0x3] =	wrdreg s5  }
0xaa: {  	[dreg:$0x4] =	wrdreg $0xC0  }
0xab: {  	_ =	task [dreg:s7], $0x5FFFF  }
0xac: {  	[dreg:$0x1] =	wrdreg $0xFFFFFFFF  }
0xad: {  	[dreg:$0x0] =	wrdreg $0x60  }
0xae: {  	[dreg:$0x2] =	wrdreg s2  }
0xaf: {  	[dreg:$0x3] =	wrdreg s24  }
0xb0: {  	[dreg:$0x4] =	wrdreg $0xA8000  }
0xb1: {  	[dreg:$0x5] =	wrdreg $0x9  }
0xb2: {  	_ =	task.clear_ibuf [dreg:s7], $0x6FFFF;
	_ =	strace $0x9000004C  }
0xb3: {  	s29 =	simm.s32 $0x9;
	_ =	strace $0x8000004E  }
0xb4: {  	_ =	swait.ge [sflag:s29], $0x1  }
0xb5: {  	[sflag:s29] =	ssyncadd.s32 $0xFFFFFFFF  }
0xb6: {  	_ =	strace $0x9000004E  }
0xb7: {  	_ =	sfence  }
0xb8: {  	s30 =	sld [smem:$0x0];
	_ =	sdelay $0x2  }
0xb9: {  	s31 =	sshll.u32 s1, $0xD;
	s1 =	sshrl.u32 s1, $0x2  }
0xba: {  	s3 =	sand.u32 $0x4000, s31;
	s1 =	sadd.s32 s1, s30  }
0xbb: {  	s0 =	sor.u32 s3, s0;
	s1 =	sshll.u32 s1, $0x11  }
0xbc: {  	s0 =	sor.u32 s1, s0  }
0xbd: {  	s0 =	sadd.s32 $0x8F2B, s0  }
0xbe: {  	[sflag:s0] =	ssyncadd.remote.s32 $0x1  }
0xbf: {  	_ =	sfence.sel $0xFFFF  }
0xc0: {  	[dreg:$0x0] =	wrdreg $0xFFFFFFFF;
	(pc) =	sbr.abs _section_cstart, $3  }
0xc1: {  	[dreg:$0x1] =	wrdreg $0xFFFFFFFF  }
0xc2: {  	_ =	task.clear_ibuf [dreg:s7], $0x2FFFF;
	_ =	strace $0x9FFFFFFF  }
0xc3: {  	(tm) =	ssettm $0x7FFFFFFF  }
tec
execute0_lowered:
.L_overlay_start_1:
0x0: {  	(tag) =	ssettag $0x1  }
0x1: {  	s2 =	rddreg [dreg:$0x0]  }
0x2: {  	s5 =	rddreg [dreg:$0x1]  }
0x3: {  	s3 =	rddreg [dreg:$0x2]  }
0x4: {  	s0 =	rddreg [dreg:$0x3]  }
0x5: {  	s1 =	stileid.u32;
	s4 =	simm.s32 $0x0;
	s7 =	srdreg.scid  }
0x6: {  	s17 =	simm.s32 $0x2;
	s18 =	simm.s32 $0x3;
	s19 =	simm.s32 $0x80  }
0x7: {  	s20 =	simm.s32 $0x2800;
	s21 =	simm.s32 $0x6800;
	s22 =	simm.s32 $0x4  }
0x8: {  	s23 =	simm.s32 $0x2780;
	s24 =	simm.s32 $0x5;
	s25 =	simm.s32 $0x0  }
0x9: {  	s6 =	smul.u32 $0x14000, s1;
	[smem:$0x7FF] =	sst s4;
	s7 =	sand.u32 $0x1, s7  }
0xa: {  	s10 =	sadd.s32 $0xC200, s5;
	s11 =	sadd.s32 $0x2200, s5;
	s12 =	smul.u32 $0x50000, s1  }
0xb: {  	s28 =	sshll.u32 s1, $0x1;
	_ =	strace $0x8000004D;
	s9 =	smul.u32 $0x140000, s7  }
0xc: {  	s13 =	ssub.s32 $0x2, s7;
	s7 =	sor.u32 s7, s28;
	s8 =	sshrl.u32 s6, $0x3  }
0xd: {  	s29 =	sshrl.u32 s13, $0x1;
	s12 =	sshrl.u32 s12, $0x2;
	s14 =	smul.u32 $0x2800, s7  }
0xe: {  	s30 =	smul.u32 $0x500, s7;
	s8 =	sadd.s32 s8, s5;
	s6 =	sadd.s32 s6, s9  }
0xf: {  	s13 =	ssub.s32 s13, s29;
	s16 =	sadd.s32 s12, s3;
	s6 =	sshrl.u32 s6, $0x3  }
0x10: {  	s31 =	sshrl.u32 s14, $0x3;
	s9 =	sadd.s32 s11, s30;
	s13 =	smax.u32 s13, $0x1  }
0x11: {  	s14 =	sshrl.u32 s16, $0x3;
	s16 =	simm.s32 $0x1;
	s15 =	sadd.s32 s6, s5  }
0x12: {  	s5 =	sshll.u32 s1, $0x6;
	s6 =	sadd.s32 $0x16200, s8;
	s12 =	sadd.s32 $0x280, s31  }
0x13: {  	s8 =	sadd.s32 s10, s30;
	s7 =	sor.u32 $0x1C01, s5;
	s10 =	sadd.s32 s10, s12  }
0x14: {  	s11 =	sadd.s32 s11, s12;
	s12 =	sadd.s32 $0x3E200, s15;
	s15 =	simm.s32 $0x1400  }
.LBB2_1:
0x15: {  	[spmem:s14], [sflag:s7] =	dma.local [hbm:s6], $0x2800  }
0x16: {  	[tilespmem:s4], [sflag:$0x2] =	stream.linear.gather [hbm4b:s8+s4], $0x1400, $0x38;
	[tilespmem:$0x1E800] =	vst v63  }
0x17: {  	_ = 	snop  }
0x18: {  	[tilespmem:s15], [sflag:$0x3] =	stream.linear.gather [hbm4b:s9+s4], $0x1400, $0x38;
	[tilespmem:$0x1E800] =	vst v63  }
0x19: {  	_ =	swait.ge [sflag:s16], $0x2800  }
0x1a: {  	[sflag:s16] =	ssyncset.done $0x0  }
0x1b: {  	[sflag:s16] =	ssyncadd.s32 $0xFFFFD800  }
0x1c: {  	_ =	swait.ge [sflag:s17], $0x1400  }
0x1d: {  	[sflag:s17] =	ssyncset.done $0x0  }
0x1e: {  	[sflag:s17] =	ssyncadd.s32 $0xFFFFEC00  }
0x1f: {  	_ =	swait.ge [sflag:s18], $0x1400  }
0x20: {  	[sflag:s18] =	ssyncset.done $0x0  }
0x21: {  	[sflag:s18] =	ssyncadd.s32 $0xFFFFEC00  }
0x22: {  	[bflag:$0x0] =	sbarrier.arrive $0xFFFF  }
0x23: {  	[tilespmem:s20], [sflag:$0x1] =	stream.indirect.gather [hbm4b:s2+s19], $0x80, s4, s19, $0xb8;
	[tilespmem:$0x1E800] =	vst v63  }
0x24: {  	_ = 	snop  }
0x25: {  	[tilespmem:s21], [sflag:$0x2] =	stream.indirect.gather [hbm4b:s2+s19], $0x80, s19, s19, $0xb8;
	[tilespmem:$0x1E800] =	vst v63  }
0x26: {  	_ =	swait.ge [sflag:s16], $0x4000  }
0x27: {  	[sflag:s16] =	ssyncset.done $0x0  }
0x28: {  	[sflag:s16] =	ssyncadd.s32 $0xFFFFC000  }
0x29: {  	[spmem:s3] =	stream.indirect.scatter.add.f32 [tilespmem:s20], [sflag:$0x3], $0x80, s15, s19, $0xb8;
	[tilespmem:$0x1E800] =	vst v63  }
0x2a: {  	_ =	swait.ge [sflag:s18], $0x4000  }
0x2b: {  	[sflag:s18] =	ssyncset.done $0x0  }
0x2c: {  	s26 =	simm.s32 $0x100;
	[sflag:s18] =	ssyncadd.s32 $0xFFFFC000  }
0x2d: {  	[tilespmem:s20], [sflag:$0x1] =	stream.indirect.gather [hbm4b:s2+s19], $0x80, s26, s19, $0xb8;
	[tilespmem:$0x1E800] =	vst v63  }
0x2e: {  	_ =	swait.ge [sflag:s17], $0x4000  }
0x2f: {  	[sflag:s17] =	ssyncset.done $0x0  }
0x30: {  	s30 =	simm.s32 $0x1480;
	[sflag:s17] =	ssyncadd.s32 $0xFFFFC000  }
0x31: {  	[spmem:s3] =	stream.indirect.scatter.add.f32 [tilespmem:s21], [sflag:$0x4], $0x80, s30, s19, $0xb8;
	[tilespmem:$0x1E800] =	vst v63  }
0x32: {  	_ =	swait.ge [sflag:s22], $0x4000  }
0x33: {  	[sflag:s22] =	ssyncset.done $0x0  }
0x34: {  	s31 =	simm.s32 $0x180;
	[sflag:s22] =	ssyncadd.s32 $0xFFFFC000  }
0x35: {  	[tilespmem:s21], [sflag:$0x2] =	stream.indirect.gather [hbm4b:s2+s19], $0x80, s31, s19, $0xb8;
	[tilespmem:$0x1E800] =	vst v63  }
0x36: {  	_ =	swait.ge [sflag:s16], $0x4000  }
0x37: {  	[sflag:s16] =	ssyncset.done $0x0  }
0x38: {  	s28 =	simm.s32 $0x1500;
	s26 =	simm.s32 $0xFFFFB800;
	[sflag:s16] =	ssyncadd.s32 $0xFFFFC000  }
.LBB2_2:
0x39: {  	[spmem:s3] =	stream.indirect.scatter.add.f32 [tilespmem:s20], [sflag:$0x3], $0x80, s28, s19, $0xb8;
	[tilespmem:$0x1E800] =	vst v63  }
0x3a: {  	s28 =	smov.u32 s26  }
0x3b: {  	p0 =	sne.s32 s26, $0xFFFFFC00;
	s26 =	sadd.s32 $0x400, s26;
	_ =	swait.ge [sflag:s18], $0x4000  }
0x3c: {  	s28 =	sshra.s32 s28, $0x2;
	[sflag:s18] =	ssyncset.done $0x0  }
0x3d: {  	s29 =	sadd.s32 $0x1400, s28;
	[sflag:s18] =	ssyncadd.s32 $0xFFFFC000  }
0x3e: {  	[tilespmem:s20], [sflag:$0x1] =	stream.indirect.gather [hbm4b:s2+s19], $0x80, s29, s19, $0xb8;
	[tilespmem:$0x1E800] =	vst v63  }
0x3f: {  	_ =	swait.ge [sflag:s17], $0x4000  }
0x40: {  	[sflag:s17] =	ssyncset.done $0x0  }
0x41: {  	s29 =	sadd.s32 $0x2780, s28;
	[sflag:s17] =	ssyncadd.s32 $0xFFFFC000  }
0x42: {  	[spmem:s3] =	stream.indirect.scatter.add.f32 [tilespmem:s21], [sflag:$0x4], $0x80, s29, s19, $0xb8;
	[tilespmem:$0x1E800] =	vst v63  }
0x43: {  	_ =	swait.ge [sflag:s22], $0x4000  }
0x44: {  	[sflag:s22] =	ssyncset.done $0x0  }
.Ltmp0:
0x45: {  	s29 =	sadd.s32 $0x1480, s28;
	[sflag:s22] =	ssyncadd.s32 $0xFFFFC000;
	(pc) =	sbr.rel @p0 .LBB2_2-.Ltmp0, $4  }
0x46: {  	[tilespmem:s21], [sflag:$0x2] =	stream.indirect.gather [hbm4b:s2+s19], $0x80, s29, s19, $0xb8;
	[tilespmem:$0x1E800] =	vst v63  }
0x47: {  	_ =	swait.ge [sflag:s16], $0x4000  }
0x48: {  	[sflag:s16] =	ssyncset.done $0x0  }
0x49: {  	s28 =	sadd.s32 $0x2800, s28;
	[sflag:s16] =	ssyncadd.s32 $0xFFFFC000  }
0x4a: {  	[spmem:s3] =	stream.indirect.scatter.add.f32 [tilespmem:s20], [sflag:$0x3], $0x80, s28, s19, $0xb8;
	[tilespmem:$0x1E800] =	vst v63  }
0x4b: {  	_ =	swait.ge [sflag:s18], $0x4000  }
0x4c: {  	[sflag:s18] =	ssyncset.done $0x0  }
0x4d: {  	[sflag:s18] =	ssyncadd.s32 $0xFFFFC000  }
0x4e: {  	_ =	swait.ge [sflag:s17], $0x4000  }
0x4f: {  	[sflag:s17] =	ssyncset.done $0x0  }
0x50: {  	[sflag:s17] =	ssyncadd.s32 $0xFFFFC000  }
0x51: {  	[spmem:s3] =	stream.indirect.scatter.add.f32 [tilespmem:s21], [sflag:$0x4], $0x80, s23, s19, $0xb8;
	[tilespmem:$0x1E800] =	vst v63  }
0x52: {  	_ =	swait.ge [sflag:s22], $0x4000  }
0x53: {  	[sflag:s22] =	ssyncset.done $0x0  }
0x54: {  	[sflag:s22] =	ssyncadd.s32 $0xFFFFC000  }
0x55: {  	[tilespmem:s4], [sflag:$0x5] =	stream.linear.gather [hbm4b:s10+s4], $0x1400, $0x38;
	[tilespmem:$0x1E800] =	vst v63  }
0x56: {  	_ =	swait.ge [sflag:s24], $0x1400  }
0x57: {  	[sflag:s24] =	ssyncset.done $0x0  }
0x58: {  	[sflag:s24] =	ssyncadd.s32 $0xFFFFEC00  }
0x59: {  	[tilespmem:s15], [sflag:$0x5] =	stream.linear.gather [hbm4b:s11+s4], $0x1400, $0x38;
	[tilespmem:$0x1E800] =	vst v63  }
0x5a: {  	_ =	swait.ge [sflag:s24], $0x1400  }
0x5b: {  	[sflag:s24] =	ssyncset.done $0x0  }
0x5c: {  	[sflag:s24] =	ssyncadd.s32 $0xFFFFEC00  }
0x5d: {  	[tilespmem:s20], [sflag:$0x1] =	stream.indirect.gather [hbm4b:s2+s19], $0x80, s4, s19, $0xb8;
	[tilespmem:$0x1E800] =	vst v63  }
0x5e: {  	_ = 	snop  }
0x5f: {  	[tilespmem:s21], [sflag:$0x2] =	stream.indirect.gather [hbm4b:s2+s19], $0x80, s19, s19, $0xb8;
	[tilespmem:$0x1E800] =	vst v63  }
0x60: {  	_ =	swait.ge [sflag:s16], $0x4000  }
0x61: {  	[sflag:s16] =	ssyncset.done $0x0  }
0x62: {  	[sflag:s16] =	ssyncadd.s32 $0xFFFFC000  }
0x63: {  	[spmem:s3] =	stream.indirect.scatter.add.f32 [tilespmem:s20], [sflag:$0x3], $0x80, s15, s19, $0xb8;
	[tilespmem:$0x1E800] =	vst v63  }
0x64: {  	_ =	swait.ge [sflag:s18], $0x4000  }
0x65: {  	[sflag:s18] =	ssyncset.done $0x0  }
0x66: {  	s26 =	simm.s32 $0x100;
	[sflag:s18] =	ssyncadd.s32 $0xFFFFC000  }
0x67: {  	[tilespmem:s20], [sflag:$0x1] =	stream.indirect.gather [hbm4b:s2+s19], $0x80, s26, s19, $0xb8;
	[tilespmem:$0x1E800] =	vst v63  }
0x68: {  	_ =	swait.ge [sflag:s17], $0x4000  }
0x69: {  	[sflag:s17] =	ssyncset.done $0x0  }
0x6a: {  	s30 =	simm.s32 $0x1480;
	[sflag:s17] =	ssyncadd.s32 $0xFFFFC000  }
0x6b: {  	[spmem:s3] =	stream.indirect.scatter.add.f32 [tilespmem:s21], [sflag:$0x4], $0x80, s30, s19, $0xb8;
	[tilespmem:$0x1E800] =	vst v63  }
0x6c: {  	_ =	swait.ge [sflag:s22], $0x4000  }
0x6d: {  	[sflag:s22] =	ssyncset.done $0x0  }
0x6e: {  	s31 =	simm.s32 $0x180;
	[sflag:s22] =	ssyncadd.s32 $0xFFFFC000  }
0x6f: {  	[tilespmem:s21], [sflag:$0x2] =	stream.indirect.gather [hbm4b:s2+s19], $0x80, s31, s19, $0xb8;
	[tilespmem:$0x1E800] =	vst v63  }
0x70: {  	_ =	swait.ge [sflag:s16], $0x4000  }
0x71: {  	[sflag:s16] =	ssyncset.done $0x0  }
0x72: {  	s28 =	simm.s32 $0x1500;
	s26 =	simm.s32 $0xFFFFB800;
	[sflag:s16] =	ssyncadd.s32 $0xFFFFC000  }
.LBB2_4:
0x73: {  	[spmem:s3] =	stream.indirect.scatter.add.f32 [tilespmem:s20], [sflag:$0x3], $0x80, s28, s19, $0xb8;
	[tilespmem:$0x1E800] =	vst v63  }
0x74: {  	s28 =	smov.u32 s26  }
0x75: {  	p0 =	sne.s32 s26, $0xFFFFFC00;
	s26 =	sadd.s32 $0x400, s26;
	_ =	swait.ge [sflag:s18], $0x4000  }
0x76: {  	s28 =	sshra.s32 s28, $0x2;
	[sflag:s18] =	ssyncset.done $0x0  }
0x77: {  	s29 =	sadd.s32 $0x1400, s28;
	[sflag:s18] =	ssyncadd.s32 $0xFFFFC000  }
0x78: {  	[tilespmem:s20], [sflag:$0x1] =	stream.indirect.gather [hbm4b:s2+s19], $0x80, s29, s19, $0xb8;
	[tilespmem:$0x1E800] =	vst v63  }
0x79: {  	_ =	swait.ge [sflag:s17], $0x4000  }
0x7a: {  	[sflag:s17] =	ssyncset.done $0x0  }
0x7b: {  	s29 =	sadd.s32 $0x2780, s28;
	[sflag:s17] =	ssyncadd.s32 $0xFFFFC000  }
0x7c: {  	[spmem:s3] =	stream.indirect.scatter.add.f32 [tilespmem:s21], [sflag:$0x4], $0x80, s29, s19, $0xb8;
	[tilespmem:$0x1E800] =	vst v63  }
0x7d: {  	_ =	swait.ge [sflag:s22], $0x4000  }
0x7e: {  	[sflag:s22] =	ssyncset.done $0x0  }
.Ltmp1:
0x7f: {  	s29 =	sadd.s32 $0x1480, s28;
	[sflag:s22] =	ssyncadd.s32 $0xFFFFC000;
	(pc) =	sbr.rel @p0 .LBB2_4-.Ltmp1, $4  }
0x80: {  	[tilespmem:s21], [sflag:$0x2] =	stream.indirect.gather [hbm4b:s2+s19], $0x80, s29, s19, $0xb8;
	[tilespmem:$0x1E800] =	vst v63  }
0x81: {  	_ =	swait.ge [sflag:s16], $0x4000  }
0x82: {  	[sflag:s16] =	ssyncset.done $0x0  }
0x83: {  	s28 =	sadd.s32 $0x2800, s28;
	[sflag:s16] =	ssyncadd.s32 $0xFFFFC000  }
0x84: {  	[spmem:s3] =	stream.indirect.scatter.add.f32 [tilespmem:s20], [sflag:$0x3], $0x80, s28, s19, $0xb8;
	[tilespmem:$0x1E800] =	vst v63  }
0x85: {  	_ =	swait.ge [sflag:s18], $0x4000  }
0x86: {  	[sflag:s18] =	ssyncset.done $0x0  }
0x87: {  	[sflag:s18] =	ssyncadd.s32 $0xFFFFC000  }
0x88: {  	_ =	swait.ge [sflag:s17], $0x4000  }
0x89: {  	[sflag:s17] =	ssyncset.done $0x0  }
0x8a: {  	[sflag:s17] =	ssyncadd.s32 $0xFFFFC000  }
0x8b: {  	[spmem:s3] =	stream.indirect.scatter.add.f32 [tilespmem:s21], [sflag:$0x4], $0x80, s23, s19, $0xb8;
	[tilespmem:$0x1E800] =	vst v63  }
0x8c: {  	_ =	swait.ge [sflag:s22], $0x4000  }
0x8d: {  	s25 =	sadd.s32 $0x1, s25;
	[sflag:s22] =	ssyncset.done $0x0  }
0x8e: {  	p0 =	sne.s32 s25, s13;
	[sflag:s22] =	ssyncadd.s32 $0xFFFFC000  }
.Ltmp2:
0x8f: {  	s26 =	sor.u32 $0x1C05, s5;
	[bflag:$0x0] =	sbarrier.arrive $0xFFFF;
	(pc) =	sbr.rel @p0 .LBB2_1-.Ltmp2, $4  }
0x90: {  	[hbm:s12], [sflag:s26] =	dma.local [spmem:s14], $0x2800  }
0x91: {  	_ =	swait.ge [sflag:s24], $0x2800  }
0x92: {  	[sflag:s24] =	ssyncset.done $0x0  }
0x93: {  	[sflag:s24] =	ssyncadd.s32 $0xFFFFD800  }
0x94: {  	_ =	sfence.sel $0x180000  }
0x95: {  	[bflag:$0x0] =	sbarrier.arrive $0xFFFF  }
0x96: {  	p0 =	sne.s32 s1, $0x0;
	_ =	strace $0x9000004D  }
0x97: {  	s0 =	sadd.s32 @!p0 $0x100000, s0;
	[bflag:$0x2] =	sbarrier.arrive $0xFFFF  }
0x98: {  	[sflag:s0] =	ssyncadd.tile.s32 @!p0 $0x1;
	_ =	shalt  }
.Lfunc_end2:
_tile_overlayer_lowered:
.L_overlay_start_2:
0x99: {  	(tag) =	ssettag $0x2  }
0x9a: {  	s0 =	rddreg [dreg:$0x0];
	s2 =	stileid.u32  }
0x9b: {  	s1 =	rddreg [dreg:$0x1];
	p0 =	sne.s32 s2, $0x0  }
0x9c: {  	s3 =	rddreg [dreg:$0x2];
	[bflag:$0x3] =	sbarrier.arrive $0xFFFF;
	s2 =	simm.s32 @!p0 $0x1C05  }
0x9d: {  	[timem:s3], [sflag:s2] =	dma.local @!p0 [hbm:s0], s1  }
0x9e: {  	s0 =	simm.s32 @!p0 $0x5  }
0x9f: {  	_ =	swait.ge @!p0 [sflag:s0], s1  }
0xa0: {  	s1 =	ssub.s32 @!p0 $0x0, s1;
	[sflag:s0] =	ssyncset.done @!p0 $0x0  }
0xa1: {  	[sflag:s0] =	ssyncadd.s32 @!p0 s1  }
0xa2: {  	[bflag:$0x3] =	sbarrier.arrive $0xFFFF  }
0xa3: {  	_ =	shalt  }

// kernel: kernel.9.cloned.1.call-start
scs
__scs_entry_jumppad:
0x0: {  	(pc) =	sbr.rel $0x88, $3  }
0x1: {  	(tag) =	ssettag $0x0;
	lr =	simm.s32 $0x1  }
0x2: {  	[smem:$0x3F9B] =	sst lr;
	_ =	strace $0xD0000000  }
0x3: {  	_ = 	snop  }
0x4: {  	_ = 	snop  }
0x5: {  	_ = 	snop  }
0x6: {  	_ = 	snop  }
0x7: {  	_ = 	snop  }
__scs_overlays_trampoline_lowered:
0x8: {  	[smem:$0x3FAA] =	sst s0  }
0x9: {  	[smem:$0x3FAB] =	sst s1  }
0xa: {  	[smem:$0x3FAC] =	sst s2  }
0xb: {  	[smem:$0x3FAD] =	sst s3  }
0xc: {  	[smem:$0x3FAE] =	sst s4  }
0xd: {  	[smem:$0x3FAF] =	sst s5  }
0xe: {  	[smem:$0x3FB0] =	sst s6  }
0xf: {  	[smem:$0x3FB1] =	sst s7  }
0x10: {  	[smem:$0x3FB2] =	sst s8  }
0x11: {  	[smem:$0x3FB3] =	sst s9;
	s0 =	simm.s32 @!p0 $0x0  }
0x12: {  	s1 =	sld [smem:$0x3F99];
	s0 =	simm.s32 @p0 $0x1  }
0x13: {  	[smem:$0x3FB4] =	sst s0;
	s0 =	simm.s32 @!p1 $0x0  }
0x14: {  	s2 =	sld [smem:$0x3F98];
	s0 =	simm.s32 @p1 $0x1  }
0x15: {  	[smem:$0x3FB5] =	sst s0;
	s0 =	simm.s32 @!p2 $0x0  }
0x16: {  	s3 =	sld [smem:$0x3FDB];
	s0 =	simm.s32 @p2 $0x1  }
0x17: {  	s4 =	simm.s32 $0x1BF5;
	[smem:$0x3FB7] =	sst s0  }
0x18: {  	s0 =	sld [smem:$0x3F9A];
	_ =	swait.ge [sflag:s4], $0x0  }
0x19: {  	s7 =	sld [smem:$0x3F9B]  }
0x1a: {  	s8 =	sadd.s32 $0xFFFFE003, lr  }
0x1b: {  	s9 =	sadd.s32 $0xFFFFFEF7, lr;
	s5 =	simm.s32 $0xFFFFFFFF;
	p2 =	slt.u32 s8, $0xFFFFF086  }
0x1c: {  	p1 =	slt.u32 s9, $0xF7A;
	s5 =	simm.s32 @!p2 $0x0  }
0x1d: {  	s5 =	simm.s32 @p1 $0x1;
	p0 =	seq.s32 s7, s2  }
0x1e: {  	s7 =	smul.u32 @!p0 $0xF7A, s2;
	p2 =	seq.s32 @!p0 s5, $0x0  }
0x1f: {  	s9 =	smul.u32 $0xF7A, s1;
	s8 =	simm.s32 @!p0 $0x1BF5;
	p2 =	por !p2, p0  }
0x20: {  	[sflag:s8] =	ssyncset.s32 @!p0 $0xFFFFF086;
	s6 =	sadd.s32 @!p0 s3, s7;
	s7 =	simm.s32 @!p0 $0x108  }
0x21: {  	s3 =	sadd.s32 s3, s9;
	s6 =	sadd.s32 @!p0 $0x88, s6;
	s7 =	simm.s32 @p2 $0x1082  }
0x22: {  	[simem:s7], [sflag:s8] =	dma.local @!p0 [hbm:s6], $0xF7A  }
0x23: {  	s9 =	sor.u32 $0xD0000000, s2;
	s6 =	simm.s32 $0x108;
	_ =	swait.ge @!p0 [sflag:s8], $0x0  }
0x24: {  	s3 =	sadd.s32 $0x88, s3;
	s6 =	simm.s32 @!p1 $0x1082;
	[sflag:s4] =	ssyncset.s32 $0xFFFFF086  }
0x25: {  	[simem:s6], [sflag:s4] =	dma.local [hbm:s3], $0xF7A  }
0x26: {  	[smem:$0x3F9B] =	sst s1;
	(tag) =	ssettag s2;
	_ =	strace s9  }
0x27: {  	s1 =	sld [smem:$0x3FAB]  }
0x28: {  	s2 =	sld [smem:$0x3FAC]  }
0x29: {  	s4 =	sld [smem:$0x3FAE]  }
0x2a: {  	p0 =	seq.s32 s5, $0x0;
	s5 =	sld [smem:$0x3FAF]  }
0x2b: {  	s6 =	sld [smem:$0x3FB0]  }
0x2c: {  	s7 =	sld [smem:$0x3FB1]  }
0x2d: {  	s3 =	simm.s32 $0x108;
	s8 =	sld [smem:$0x3FB2]  }
0x2e: {  	s3 =	simm.s32 @!p0 $0x1082;
	s9 =	sld [smem:$0x3FB3]  }
0x2f: {  	lr =	sadd.s32 s0, s3;
	s0 =	sld [smem:$0x3FAA]  }
0x30: {  	s3 =	sld [smem:$0x3FAD]  }
0x31: {  	[smem:$0x3FB6] =	sst s10  }
0x32: {  	s10 =	sld [smem:$0x3FB4];
	_ =	sdelay $0x3  }
0x33: {  	p0 =	seq.s32 s10, $0x1;
	s10 =	sld [smem:$0x3FB6];
	_ =	sdelay $0x3  }
0x34: {  	[smem:$0x3FB6] =	sst s10  }
0x35: {  	s10 =	sld [smem:$0x3FB5];
	_ =	sdelay $0x3  }
0x36: {  	p1 =	seq.s32 s10, $0x1;
	s10 =	sld [smem:$0x3FB6];
	_ =	sdelay $0x3  }
0x37: {  	[smem:$0x3FB6] =	sst s10  }
0x38: {  	s10 =	sld [smem:$0x3FB7]  }
0x39: {  	_ = 	snop;
	(pc) =	sbr.ind lr, $3  }
0x3a: {  	_ = 	snop  }
0x3b: {  	_ = 	snop  }
0x3c: {  	p2 =	seq.s32 s10, $0x1;
	s10 =	sld [smem:$0x3FB6]  }
0x3d: {  	_ =	shalt  }
0x3e: {  	_ =	shalt  }
0x3f: {  	_ =	shalt  }
0x40: {  	_ =	shalt  }
0x41: {  	_ =	shalt  }
0x42: {  	_ =	shalt  }
0x43: {  	_ =	shalt  }
0x44: {  	_ =	shalt  }
0x45: {  	_ =	shalt  }
0x46: {  	_ =	shalt  }
0x47: {  	_ =	shalt  }
0x48: {  	_ =	shalt  }
0x49: {  	_ =	shalt  }
0x4a: {  	_ =	shalt  }
0x4b: {  	_ =	shalt  }
0x4c: {  	_ =	shalt  }
0x4d: {  	_ =	shalt  }
0x4e: {  	_ =	shalt  }
0x4f: {  	_ =	shalt  }
0x50: {  	_ =	shalt  }
0x51: {  	_ =	shalt  }
0x52: {  	_ =	shalt  }
0x53: {  	_ =	shalt  }
0x54: {  	_ =	shalt  }
0x55: {  	_ =	shalt  }
0x56: {  	_ =	shalt  }
0x57: {  	_ =	shalt  }
0x58: {  	_ =	shalt  }
0x59: {  	_ =	shalt  }
0x5a: {  	_ =	shalt  }
0x5b: {  	_ =	shalt  }
0x5c: {  	_ =	shalt  }
0x5d: {  	_ =	shalt  }
0x5e: {  	_ =	shalt  }
0x5f: {  	_ =	shalt  }
0x60: {  	_ =	shalt  }
0x61: {  	_ =	shalt  }
0x62: {  	_ =	shalt  }
0x63: {  	_ =	shalt  }
0x64: {  	_ =	shalt  }
0x65: {  	_ =	shalt  }
0x66: {  	_ =	shalt  }
0x67: {  	_ =	shalt  }
0x68: {  	_ =	shalt  }
0x69: {  	_ =	shalt  }
0x6a: {  	_ =	shalt  }
0x6b: {  	_ =	shalt  }
0x6c: {  	_ =	shalt  }
0x6d: {  	_ =	shalt  }
0x6e: {  	_ =	shalt  }
0x6f: {  	_ =	shalt  }
0x70: {  	_ =	shalt  }
0x71: {  	_ =	shalt  }
0x72: {  	_ =	shalt  }
0x73: {  	_ =	shalt  }
0x74: {  	_ =	shalt  }
0x75: {  	_ =	shalt  }
0x76: {  	_ =	shalt  }
0x77: {  	_ =	shalt  }
0x78: {  	_ =	shalt  }
0x79: {  	_ =	shalt  }
0x7a: {  	_ =	shalt  }
0x7b: {  	_ =	shalt  }
0x7c: {  	_ =	shalt  }
0x7d: {  	_ =	shalt  }
0x7e: {  	_ =	shalt  }
0x7f: {  	_ =	shalt  }
0x80: {  	_ =	shalt  }
0x81: {  	_ =	shalt  }
0x82: {  	_ =	shalt  }
0x83: {  	_ =	shalt  }
0x84: {  	_ =	shalt  }
0x85: {  	_ =	shalt  }
0x86: {  	_ =	shalt  }
0x87: {  	_ =	shalt  }
.Lfunc_end0:
.L_simem_size_0:
called_computation_lowered:
.L_overlay_start_0:
0x88: {  	s2 =	sld [smem:$0x3FD9]  }
0x89: {  	s3 =	sld [smem:$0x3FFE];
	_ =	sdelay $0x1  }
0x8a: {  	s1 =	srdreg.scid  }
0x8b: {  	s0 =	sand.u32 $0x1, s1  }
0x8c: {  	s17 =	sshll.u32 s0, $0xA;
	s2 =	sadd.s32 s3, s2  }
0x8d: {  	s2 =	sadd.s32 s2, s17  }
0x8e: {  	[smem:$0x3FC2] =	sst s2  }
0x8f: {  	_ = 	snop  }
0x90: {  	s2 =	sld [smem:$0x3FD0];
	(tm) =	ssettm $0x1  }
0x91: {  	s18 =	sld [smem:$0x3FFB];
	_ =	sdelay $0x3  }
0x92: {  	_ =	strace s18  }
0x93: {  	s3 =	sld [smem:$0x3FFC];
	_ =	sdelay $0x3  }
0x94: {  	_ =	strace s3  }
0x95: {  	s3 =	sld [smem:$0x3FFD];
	_ =	sdelay $0x3  }
0x96: {  	_ =	strace s3  }
0x97: {  	_ =	strace $0x8FFFFFFF  }
0x98: {  	s19 =	sld [smem:$0x3FDB];
	_ =	sdelay $0x1  }
0x99: {  	s4 =	simm.s32 $_scs_section_size  }
0x9a: {  	s5 =	simm.s32 $_size__tile_overlayer_lowered;
	s6 =	simm.s32 $_tile_overlayer_lowered  }
0x9b: {  	s22 =	simm.s32 $0x1BFF;
	s21 =	sshll.u32 s6, $0x1;
	s3 =	sadd.s32 s4, s19  }
0x9c: {  	s7 =	simm.s32 $0x0;
	s20 =	sshll.u32 s5, $0x1;
	s5 =	sadd.s32 s21, s3  }
0x9d: {  	[timem:s7], [sflag:s22] =	dma.local [hbm:s5], s20  }
0x9e: {  	_ =	swait.ge [sflag:s22], s20  }
0x9f: {  	s4 =	ssub.s32 $0x0, s20;
	[sflag:s22] =	ssyncset.done $0x0  }
0xa0: {  	[sflag:s22] =	ssyncadd.s32 s4;
	_ =	sdelay $0x1  }
0xa1: {  	s23 =	simm.s32 $0x1B8B  }
0xa2: {  	_ =	swait.ge [sflag:s23], $0x1  }
0xa3: {  	[sflag:s23] =	ssyncset.done $0x0  }
0xa4: {  	s25 =	simm.s32 $0x1B8E;
	s24 =	sld [smem:$0x3FFE];
	[sflag:s23] =	ssyncadd.s32 $0xFFFFFFFF  }
0xa5: {  	s26 =	simm.s32 $execute0_lowered;
	[smem:$0x3FD2] =	sst s25  }
0xa6: {  	s5 =	sshll.u32 s26, $0x1;
	_ =	strace $0x80000046;
	[dreg:$0x1] =	wrdreg $0xFFFFFFFF  }
0xa7: {  	s28 =	simm.s32 $_size_execute0_lowered;
	s3 =	sadd.s32 s3, s5;
	[dreg:$0x0] =	wrdreg $0x0  }
0xa8: {  	s5 =	sshll.u32 s28, $0x1;
	[dreg:$0x2] =	wrdreg s3  }
0xa9: {  	[dreg:$0x3] =	wrdreg s5  }
0xaa: {  	[dreg:$0x4] =	wrdreg $0xC0  }
0xab: {  	_ =	task [dreg:s7], $0x5FFFF  }
0xac: {  	[dreg:$0x1] =	wrdreg $0xFFFFFFFF  }
0xad: {  	[dreg:$0x0] =	wrdreg $0x60  }
0xae: {  	[dreg:$0x2] =	wrdreg s24  }
0xaf: {  	[dreg:$0x3] =	wrdreg s2  }
0xb0: {  	[dreg:$0x4] =	wrdreg $0x2B000  }
0xb1: {  	[dreg:$0x5] =	wrdreg $0x9  }
0xb2: {  	_ =	task.clear_ibuf [dreg:s7], $0x6FFFF;
	_ =	strace $0x90000046  }
0xb3: {  	s29 =	simm.s32 $0x9;
	_ =	strace $0x80000048  }
0xb4: {  	_ =	swait.ge [sflag:s29], $0x1  }
0xb5: {  	[sflag:s29] =	ssyncadd.s32 $0xFFFFFFFF  }
0xb6: {  	_ =	strace $0x90000048  }
0xb7: {  	_ =	sfence  }
0xb8: {  	s30 =	sld [smem:$0x0];
	_ =	sdelay $0x2  }
0xb9: {  	s31 =	sshll.u32 s1, $0xD;
	s1 =	sshrl.u32 s1, $0x2  }
0xba: {  	s3 =	sand.u32 $0x4000, s31;
	s1 =	sadd.s32 s1, s30  }
0xbb: {  	s0 =	sor.u32 s3, s0;
	s1 =	sshll.u32 s1, $0x11  }
0xbc: {  	s0 =	sor.u32 s1, s0  }
0xbd: {  	s0 =	sadd.s32 $0x8F2B, s0  }
0xbe: {  	[sflag:s0] =	ssyncadd.remote.s32 $0x1  }
0xbf: {  	_ =	sfence.sel $0xFFFF  }
0xc0: {  	[dreg:$0x0] =	wrdreg $0xFFFFFFFF;
	(pc) =	sbr.abs _section_cstart, $3  }
0xc1: {  	[dreg:$0x1] =	wrdreg $0xFFFFFFFF  }
0xc2: {  	_ =	task.clear_ibuf [dreg:s7], $0x2FFFF;
	_ =	strace $0x9FFFFFFF  }
0xc3: {  	(tm) =	ssettm $0x7FFFFFFF  }
tec
execute0_lowered:
.L_overlay_start_1:
0x0: {  	(tag) =	ssettag $0x1  }
0x1: {  	s4 =	rddreg [dreg:$0x0]  }
0x2: {  	s6 =	rddreg [dreg:$0x1];
	s1 =	srdreg.scid  }
0x3: {  	s0 =	stileid.u32;
	s2 =	rddreg [dreg:$0x2]  }
0x4: {  	s3 =	simm.s32 $0x0;
	s11 =	simm.s32 $0x2800;
	s12 =	simm.s32 $0x1  }
0x5: {  	s15 =	simm.s32 $0x20;
	s16 =	simm.s32 $0x10;
	s17 =	simm.s32 $0x0  }
0x6: {  	s5 =	sand.u32 $0x1, s1;
	s1 =	rddreg [dreg:$0x3];
	s8 =	smul.u32 $0x500, s0  }
0x7: {  	s7 =	sshll.u32 s0, $0x1;
	[smem:$0x7FF] =	sst s3;
	s10 =	smul.u32 $0xA00, s0  }
0x8: {  	s13 =	sshll.u32 s0, $0x6;
	s7 =	sor.u32 s5, s7;
	_ =	strace $0x80000047  }
0x9: {  	s9 =	ssub.s32 $0x2, s5;
	s5 =	sshll.u32 s5, $0x7;
	s13 =	sor.u32 $0x1C02, s13  }
0xa: {  	s7 =	smul.u32 $0x500, s7;
	s28 =	sshrl.u32 s9, $0x1;
	s5 =	sor.u32 s5, s8  }
0xb: {  	s30 =	sshrl.u32 s10, $0x2;
	s8 =	simm.s32 $0x2880;
	s10 =	simm.s32 $0x80  }
0xc: {  	s29 =	ssub.s32 s9, s28;
	s31 =	sshrl.u32 s5, $0x3;
	s9 =	simm.s32 $0x2  }
0xd: {  	s7 =	sadd.s32 s7, s4;
	s4 =	sadd.s32 s30, s2;
	s6 =	sadd.s32 s6, s31  }
0xe: {  	v0 =	vimm.f32 $1.000000000e+00;
	v1 =	vimm.f32 $0.0e+00;
	s5 =	sadd.s32 $0x2200, s7;
	s7 =	smax.u32 s29, $0x1;
	s14 =	sshrl.u32 s4, $0x3  }
.LBB2_1:
0xf: {  	[tilespmem:$0x2800] =	vst v0  }
0x10: {  	[tilespmem:$0x2810] =	vst v0  }
0x11: {  	[tilespmem:$0x2820] =	vst v0  }
0x12: {  	[tilespmem:$0x2830] =	vst v0  }
0x13: {  	[tilespmem:$0x2840] =	vst v0  }
0x14: {  	[tilespmem:$0x2850] =	vst v0  }
0x15: {  	[tilespmem:$0x2860] =	vst v0  }
0x16: {  	[tilespmem:$0x2870] =	vst v0  }
0x17: {  	[tilespmem:$0x2880] =	vst v1  }
0x18: {  	[tilespmem:$0x2890] =	vst v1  }
0x19: {  	[tilespmem:$0x28A0] =	vst v1  }
0x1a: {  	[tilespmem:$0x28B0] =	vst v1  }
0x1b: {  	[tilespmem:$0x28C0] =	vst v1  }
0x1c: {  	[tilespmem:$0x28D0] =	vst v1  }
0x1d: {  	[tilespmem:$0x28E0] =	vst v1  }
0x1e: {  	[tilespmem:$0x28F0] =	vst v1  }
0x1f: {  	[tilespmem:$0x2900] =	vst v1  }
0x20: {  	[tilespmem:$0x2910] =	vst v1  }
0x21: {  	[tilespmem:$0x2920] =	vst v1  }
0x22: {  	[tilespmem:$0x2930] =	vst v1  }
0x23: {  	[tilespmem:$0x2940] =	vst v1  }
0x24: {  	[tilespmem:$0x2950] =	vst v1  }
0x25: {  	[tilespmem:$0x2960] =	vst v1  }
0x26: {  	[tilespmem:$0x2970] =	vst v1  }
0x27: {  	[tilespmem:$0x2980] =	vst v1  }
0x28: {  	[tilespmem:$0x2990] =	vst v1  }
0x29: {  	[tilespmem:$0x29A0] =	vst v1  }
0x2a: {  	[tilespmem:$0x29B0] =	vst v1  }
0x2b: {  	[tilespmem:$0x29C0] =	vst v1  }
0x2c: {  	[tilespmem:$0x29D0] =	vst v1  }
0x2d: {  	[tilespmem:$0x29E0] =	vst v1  }
0x2e: {  	[tilespmem:$0x29F0] =	vst v1  }
0x2f: {  	[tilespmem:$0x2A00] =	vst v1  }
0x30: {  	[tilespmem:$0x2A10] =	vst v1  }
0x31: {  	[tilespmem:$0x2A20] =	vst v1  }
0x32: {  	[tilespmem:$0x2A30] =	vst v1  }
0x33: {  	[tilespmem:$0x2A40] =	vst v1  }
0x34: {  	[tilespmem:$0x2A50] =	vst v1  }
0x35: {  	[tilespmem:$0x2A60] =	vst v1  }
0x36: {  	[tilespmem:$0x2A70] =	vst v1  }
0x37: {  	[tilespmem:$0x2A80] =	vst v1  }
0x38: {  	[tilespmem:$0x2A90] =	vst v1  }
0x39: {  	[tilespmem:$0x2AA0] =	vst v1  }
0x3a: {  	[tilespmem:$0x2AB0] =	vst v1  }
0x3b: {  	[tilespmem:$0x2AC0] =	vst v1  }
0x3c: {  	[tilespmem:$0x2AD0] =	vst v1  }
0x3d: {  	[tilespmem:$0x2AE0] =	vst v1  }
0x3e: {  	[tilespmem:$0x2AF0] =	vst v1  }
0x3f: {  	[spmem:s4] =	stream.linear.scatter [tilespmem:s8], [sflag:$0x2], $0x280, $0x38;
	[tilespmem:$0x2D80] =	vst v63  }
0x40: {  	_ =	swait.ge [sflag:s9], $0x280  }
0x41: {  	[sflag:s9] =	ssyncset.done $0x0  }
0x42: {  	[sflag:s9] =	ssyncadd.s32 $0xFFFFFD80  }
0x43: {  	[tilespmem:s3], [sflag:$0x2] =	stream.linear.gather [hbm4b:s5+s3], $0x2800, $0x38;
	[tilespmem:$0x2D80] =	vst v63  }
0x44: {  	_ =	swait.ge [sflag:s9], $0x2800  }
0x45: {  	[sflag:s9] =	ssyncset.done $0x0  }
0x46: {  	[sflag:s9] =	ssyncadd.s32 $0xFFFFD800  }
0x47: {  	s18 =	simm.s32 $0x0;
	[bflag:$0x0] =	sbarrier.arrive $0xFFFF  }
.LBB2_2:
0x48: {  	p0 =	sne.s32 s18, $0x9E00  }
.Ltmp0:
0x49: {  	_ = 	snop;
	(pc) =	sbr.rel @p0 .LBB2_2-.Ltmp0, $3  }
0x4a: {  	_ =	sdelay $0x1  }
0x4b: {  	s19 =	sshra.s32 s18, $0x2;
	s18 =	sadd.s32 $0x200, s18  }
0x4c: {  	[spmem:s2] =	stream.indirect.scatter.add.f32 [tilespmem:s11], [sflag:$0x1], $0x1, s19, s10, $0xb8;
	[tilespmem:$0x2D80] =	vst v63  }
0x4d: {  	_ =	swait.ge [sflag:s12], $0x80  }
0x4e: {  	s18 =	simm.s32 $0x4F;
	[sflag:s12] =	ssyncset.done $0x0  }
.LBB2_4:
0x4f: {  	p0 =	sne.s32 s18, $0x1;
	s18 =	sadd.s32 $0xFFFFFFFF, s18;
	[sflag:s12] =	ssyncadd.s32 $0xFFFFFF80  }
.Ltmp1:
0x50: {  	(pc) =	sbr.rel @p0 .LBB2_4-.Ltmp1, $3  }
0x51: {  	_ =	sdelay $0x1  }
0x52: {  	_ =	swait.ge [sflag:s12], $0x80  }
0x53: {  	[sflag:s12] =	ssyncset.done $0x0  }
0x54: {  	s17 =	sadd.s32 $0x1, s17  }
0x55: {  	[sflag:s12] =	ssyncadd.s32 $0xFFFFFF80;
	p0 =	sne.s32 s17, s7  }
.Ltmp2:
0x56: {  	[bflag:$0x0] =	sbarrier.arrive $0xFFFF;
	(pc) =	sbr.rel @p0 .LBB2_1-.Ltmp2, $4  }
0x57: {  	[hbm:s6@s15], [sflag:s13] =	dma.strided [spmem:s14@s16], $0x50, s12, $0x10   }
0x58: {  	_ =	swait.ge [sflag:s9], $0x50  }
0x59: {  	[sflag:s9] =	ssyncset.done $0x0  }
0x5a: {  	[sflag:s9] =	ssyncadd.s32 $0xFFFFFFB0  }
0x5b: {  	_ =	sfence.sel $0x180000  }
0x5c: {  	[bflag:$0x0] =	sbarrier.arrive $0xFFFF  }
0x5d: {  	p0 =	sne.s32 s0, $0x0;
	_ =	strace $0x90000047  }
0x5e: {  	s0 =	sadd.s32 @!p0 $0x100000, s1;
	[bflag:$0x2] =	sbarrier.arrive $0xFFFF  }
0x5f: {  	[sflag:s0] =	ssyncadd.tile.s32 @!p0 $0x1;
	_ =	shalt  }
.Lfunc_end2:
_tile_overlayer_lowered:
.L_overlay_start_2:
0x60: {  	(tag) =	ssettag $0x2  }
0x61: {  	s0 =	rddreg [dreg:$0x0];
	s2 =	stileid.u32  }
0x62: {  	s1 =	rddreg [dreg:$0x1];
	p0 =	sne.s32 s2, $0x0  }
0x63: {  	s3 =	rddreg [dreg:$0x2];
	[bflag:$0x3] =	sbarrier.arrive $0xFFFF;
	s2 =	simm.s32 @!p0 $0x1C02  }
0x64: {  	[timem:s3], [sflag:s2] =	dma.local @!p0 [hbm:s0], s1  }
0x65: {  	s0 =	simm.s32 @!p0 $0x2  }
0x66: {  	_ =	swait.ge @!p0 [sflag:s0], s1  }
0x67: {  	s1 =	ssub.s32 @!p0 $0x0, s1;
	[sflag:s0] =	ssyncset.done @!p0 $0x0  }
0x68: {  	[sflag:s0] =	ssyncadd.s32 @!p0 s1  }
0x69: {  	[bflag:$0x3] =	sbarrier.arrive $0xFFFF  }
0x6a: {  	_ =	shalt  }

</sc_bundles>
